<compile_context>
chip_gen: v7x
topology: tpu7x:2x2x1
jax: 0.10.2.dev20260603
libtpu: 0.0.44.dev20260713+nightly
codegen_flags: <defaults>
</compile_context>

<pallas_src>
import functools

import jax
import jax.numpy as jnp
from jax import lax
from jax.experimental import pallas as pl
from jax.experimental.pallas import tpu as pltpu
from jax.experimental.pallas import tpu_sc as plsc

B = 16384
V_USER = 100000
V_ITEM = 100000
D = 32
N_BUCKETS = 1000
OUT_W = 3 * D + 1

NC, NS, L = 2, 16, 16
NW = NC * NS
RPW = B // NW
NCHUNK = RPW // L
NIDX = 4
IDXW = RPW // NIDX

_mesh = plsc.VectorSubcoreMesh(core_axis_name="c", subcore_axis_name="s")


@functools.partial(
    pl.kernel,
    out_type=jax.ShapeDtypeStruct((B, OUT_W), jnp.float32),
    mesh=_mesh,
    compiler_params=pltpu.CompilerParams(
        needs_layout_passes=False, use_tc_tiling_on_sc=False),
    scratch_types=[
        pltpu.VMEM((RPW,), jnp.int32),
        pltpu.VMEM((RPW,), jnp.int32),
        pltpu.VMEM((RPW,), jnp.int32),
        pltpu.VMEM((N_BUCKETS,), jnp.float32),
        pltpu.VMEM((8, L), jnp.float32),
        pltpu.VMEM((RPW,), jnp.int32),
        pltpu.VMEM((RPW,), jnp.int32),
        pltpu.VMEM((RPW,), jnp.int32),
        pltpu.VMEM((RPW, D), jnp.float32),
        pltpu.VMEM((RPW, D), jnp.float32),
        pltpu.VMEM((RPW, D), jnp.float32),
        pltpu.VMEM((RPW, 1), jnp.float32),
        pltpu.SemaphoreType.DMA,
        pltpu.SemaphoreType.DMA,
        pltpu.SemaphoreType.DMA,
    ],
)
def _sc_features(uid_hbm, iid_hbm, ts_hbm, eu_hbm, ei_hbm, et_hbm,
                 bk_hbm, c_hbm, out_hbm,
                 uid_v, iid_v, ts_v, buckets_v, c_v,
                 iu_v, ii_v, it_v, ru_v, ri_v, rt_v, norm_v,
                 sem_u, sem_i, sem_t):
    wid = lax.axis_index("s") * NC + lax.axis_index("c")

    pltpu.sync_copy(uid_hbm.at[wid], uid_v)
    pltpu.sync_copy(iid_hbm.at[wid], iid_v)
    pltpu.sync_copy(ts_hbm.at[wid], ts_v)
    pltpu.sync_copy(bk_hbm, buckets_v)
    pltpu.sync_copy(c_hbm, c_v)

    def idx_body(j, carry):
        off = j * L
        uj = uid_v[pl.ds(off, L)]
        iu_v[pl.ds(off, L)] = jnp.where((uj >= 0) & (uj < V_USER), uj + 1, 0)
        ij = iid_v[pl.ds(off, L)]
        ii_v[pl.ds(off, L)] = jnp.where((ij >= 0) & (ij < V_ITEM), ij + 1, 0)
        return carry

    lax.fori_loop(0, NCHUNK, idx_body, 0)

    du = [pltpu.async_copy(eu_hbm.at[iu_v.at[pl.ds(t * IDXW, IDXW)]],
                           ru_v.at[pl.ds(t * IDXW, IDXW)], sem_u)
          for t in range(NIDX)]
    di = [pltpu.async_copy(ei_hbm.at[ii_v.at[pl.ds(t * IDXW, IDXW)]],
                           ri_v.at[pl.ds(t * IDXW, IDXW)], sem_i)
          for t in range(NIDX)]

    a16 = c_v[0, :]
    b16 = c_v[1, :]
    min16 = c_v[2, :]
    inv16 = c_v[3, :]
    bmax16 = c_v[4, :]

    def ts_body(j, carry):
        off = j * L
        tsf = ts_v[pl.ds(off, L)].astype(jnp.float32)
        est = ((tsf - min16) * inv16).astype(jnp.int32)
        base = jnp.minimum(jnp.maximum(est - 1, 0), N_BUCKETS - 1)
        cnt = base
        for k in range(4):
            probe = jnp.minimum(base + k, N_BUCKETS - 1)
            g = plsc.load_gather(buckets_v, [probe])
            cnt = cnt + jnp.where(g <= tsf, 1, 0)
        pos = jnp.where(tsf >= bmax16, N_BUCKETS, cnt)
        it_v[pl.ds(off, L)] = pos
        rows = off + lax.iota(jnp.int32, L)
        plsc.store_scatter(norm_v, [rows, jnp.zeros((L,), jnp.int32)],
                           tsf * a16 + b16)
        return carry

    lax.fori_loop(0, NCHUNK, ts_body, 0)

    dt = [pltpu.async_copy(et_hbm.at[it_v.at[pl.ds(t * IDXW, IDXW)]],
                           rt_v.at[pl.ds(t * IDXW, IDXW)], sem_t)
          for t in range(NIDX)]

    rbase = wid * RPW
    for d in du:
        d.wait()
    pltpu.sync_copy(ru_v, out_hbm.at[pl.ds(rbase, RPW), pl.ds(0, D)])
    for d in di:
        d.wait()
    pltpu.sync_copy(ri_v, out_hbm.at[pl.ds(rbase, RPW), pl.ds(D, D)])
    for d in dt:
        d.wait()
    pltpu.sync_copy(rt_v, out_hbm.at[pl.ds(rbase, RPW), pl.ds(2 * D, D)])
    pltpu.sync_copy(norm_v, out_hbm.at[pl.ds(rbase, RPW), pl.ds(3 * D, 1)])


def kernel(user_id, item_id, timestamp, emb_user, emb_item, emb_ts,
           ts_buckets, ts_mean, ts_var):
    a = (0.5 / jnp.sqrt(ts_var)).astype(jnp.float32)
    b = (-ts_mean * a).astype(jnp.float32)
    bmin = ts_buckets[0]
    bmax = ts_buckets[N_BUCKETS - 1]
    inv = (N_BUCKETS - 1) / (bmax - bmin)
    inv = jnp.where(jnp.isfinite(inv), inv, 0.0).astype(jnp.float32)
    consts = jnp.stack([
        jnp.broadcast_to(a, (L,)),
        jnp.broadcast_to(b, (L,)),
        jnp.broadcast_to(bmin, (L,)),
        jnp.broadcast_to(inv, (L,)),
        jnp.broadcast_to(bmax, (L,)),
        jnp.zeros((L,), jnp.float32),
        jnp.zeros((L,), jnp.float32),
        jnp.zeros((L,), jnp.float32),
    ])
    return _sc_features(
        user_id.reshape(NW, RPW),
        item_id.reshape(NW, RPW),
        timestamp.reshape(NW, RPW),
        emb_user, emb_item, emb_ts * jnp.float32(0.5),
        ts_buckets, consts)

# --- scband reference (transcript-rebuilt; emitter-appended) ---
"""Pipeline reference for scband-features-layers-30648886624668 (READ-ONLY COPY).

The authoritative reference and input builder live on the scoring server;
editing this copy changes nothing except your own understanding.
"""

import jax, jax.numpy as jnp
import numpy as np

B = 16384
V_USER = 100000
V_ITEM = 100000
D = 32
N_BUCKETS = 1000


def setup_inputs(seed: int = 0) -> dict:
    key = jax.random.key(seed)
    k = jax.random.split(key, 7)
    user_id = jax.random.randint(k[0], (B,), 0, V_USER)
    item_id = jax.random.randint(k[1], (B,), 0, V_ITEM)
    timestamp = jax.random.randint(k[2], (B,), 0, 1000000000)
    # learned parameters (Embedding layers per keras Sequential towers)
    emb_user = jax.random.normal(k[3], (V_USER + 1, D), dtype=jnp.float32) * 0.05
    emb_item = jax.random.normal(k[4], (V_ITEM + 1, D), dtype=jnp.float32) * 0.05
    emb_ts = jax.random.normal(k[5], (N_BUCKETS + 2, D), dtype=jnp.float32) * 0.05
    # adapted (non-trainable) stats for Discretization + Normalization, derived
    # from the timestamp vocabulary exactly like the keras __init__ does
    ts_vocab = jax.random.randint(k[6], (50000,), 0, 1000000000).astype(jnp.float32)
    ts_min = jnp.min(ts_vocab)
    ts_max = jnp.max(ts_vocab)
    ts_buckets = jnp.linspace(ts_min, ts_max, N_BUCKETS)
    ts_mean = jnp.mean(ts_vocab)
    ts_var = jnp.var(ts_vocab)
    return {
        "user_id": user_id,
        "item_id": item_id,
        "timestamp": timestamp,
        "emb_user": emb_user,
        "emb_item": emb_item,
        "emb_ts": emb_ts,
        "ts_buckets": ts_buckets,
        "ts_mean": ts_mean,
        "ts_var": ts_var,
    }


def _integer_lookup(vals, vocab_size):
    # tf.keras.layers.IntegerLookup(vocabulary=arange(V), mask_token=None):
    # vocab hit -> position + 1, miss -> OOV index 0
    vocab = jnp.arange(vocab_size)
    pos = jnp.searchsorted(vocab, vals)
    pos_c = jnp.clip(pos, 0, vocab_size - 1)
    found = (pos < vocab_size) & (jnp.take(vocab, pos_c) == vals)
    return jnp.where(found, pos_c + 1, 0)


def reference(user_id, item_id, timestamp, emb_user, emb_item, emb_ts, ts_buckets, ts_mean, ts_var):
    w_user, w_item, w_ts = 1.0, 1.0, 0.5
    e_u = jnp.take(emb_user, _integer_lookup(user_id, V_USER), axis=0) * w_user
    e_i = jnp.take(emb_item, _integer_lookup(item_id, V_ITEM), axis=0) * w_item
    ts_f = timestamp.astype(jnp.float32)
    # tf.keras.layers.Discretization(bins) == digitize(x, bins, right=False)
    ts_bin = jnp.searchsorted(ts_buckets, ts_f, side='right')
    e_t = jnp.take(emb_ts, ts_bin, axis=0) * w_ts
    # extra_layers: Normalization(axis=None) adapted on timestamp vocabulary
    norm = ((ts_f - ts_mean) / jnp.sqrt(ts_var)).reshape(-1, 1) * w_ts
    return jnp.concatenate([e_u, e_i, e_t, norm], axis=1)

if __name__ == "__main__":
    import jax
    _d = setup_inputs()
    print(jax.jit(kernel)(*tuple(_d.values())))

</pallas_src>

<mosaic_0001>
#map = affine_map<(d0, d1) -> (0, 0)>
#map1 = affine_map<(d0, d1) -> (0)>
module attributes {stable_mosaic.version = 14 : i64} {
  func.func @_sc_features(%arg0: i32, %arg1: i32, %arg2: memref<32x512xi32, #tpu.memory_space<hbm>>, %arg3: memref<32x512xi32, #tpu.memory_space<hbm>>, %arg4: memref<32x512xi32, #tpu.memory_space<hbm>>, %arg5: memref<100001x32xf32, #tpu.memory_space<hbm>>, %arg6: memref<100001x32xf32, #tpu.memory_space<hbm>>, %arg7: memref<1002x32xf32, #tpu.memory_space<hbm>>, %arg8: memref<1000xf32, #tpu.memory_space<hbm>>, %arg9: memref<8x16xf32, #tpu.memory_space<hbm>>, %arg10: memref<16384x97xf32, #tpu.memory_space<hbm>>, %arg11: memref<512xi32, #tpu.memory_space<vmem>>, %arg12: memref<512xi32, #tpu.memory_space<vmem>>, %arg13: memref<512xi32, #tpu.memory_space<vmem>>, %arg14: memref<1000xf32, #tpu.memory_space<vmem>>, %arg15: memref<8x16xf32, #tpu.memory_space<vmem>>, %arg16: memref<512xi32, #tpu.memory_space<vmem>>, %arg17: memref<512xi32, #tpu.memory_space<vmem>>, %arg18: memref<512xi32, #tpu.memory_space<vmem>>, %arg19: memref<512x32xf32, #tpu.memory_space<vmem>>, %arg20: memref<512x32xf32, #tpu.memory_space<vmem>>, %arg21: memref<512x32xf32, #tpu.memory_space<vmem>>, %arg22: memref<512x1xf32, #tpu.memory_space<vmem>>, %arg23: memref<!tpu.dma_semaphore, #tpu.memory_space<semaphore_mem>>, %arg24: memref<!tpu.dma_semaphore, #tpu.memory_space<semaphore_mem>>, %arg25: memref<!tpu.dma_semaphore, #tpu.memory_space<semaphore_mem>>) attributes {dimension_semantics = [#tpu.dimension_semantics<core_parallel>, #tpu.dimension_semantics<subcore_parallel>], iteration_bounds = array<i64: 2, 16>, scalar_prefetch = 0 : i64, scratch_operands = 15 : i64, tpu.core_type = #tpu.core_type<sc_vector_subcore>, window_params = [{transform_indices = #map}, {transform_indices = #map}, {transform_indices = #map}, {transform_indices = #map}, {transform_indices = #map}, {transform_indices = #map}, {transform_indices = #map1}, {transform_indices = #map}, {transform_indices = #map}]} {
    %mul3A = arith.constant 2 : i32
    %mul3A_0 = arith.muli %arg1, %mul3A : i32
    %add3A = arith.addi %mul3A_0, %arg0 : i32
    "tpu.region"() ({
      %run_scoped3A = tpu.sem_alloc : memref<!tpu.dma_semaphore, #tpu.memory_space<semaphore_mem>>
      %dma_start3A_223 = arith.constant 0 : i32
      %dma_start3A_224 = tpu.memref_slice %arg2[%add3A, %dma_start3A_223] : memref<32x512xi32, #tpu.memory_space<hbm>> -> memref<1x512xi32, #tpu.memory_space<hbm>>
      %dma_start3A_225 = tpu.memref_squeeze %dma_start3A_224 : memref<1x512xi32, #tpu.memory_space<hbm>> -> memref<512xi32, #tpu.memory_space<hbm>>
      %dma_start3A_226 = arith.constant 0 : i32
      %dma_start3A_227 = tpu.memref_slice %arg2[%add3A, %dma_start3A_226] : memref<32x512xi32, #tpu.memory_space<hbm>> -> memref<1x512xi32, #tpu.memory_space<hbm>>
      %dma_start3A_228 = tpu.memref_squeeze %dma_start3A_227 : memref<1x512xi32, #tpu.memory_space<hbm>> -> memref<512xi32, #tpu.memory_space<hbm>>
      tpu.enqueue_dma source(%dma_start3A_228 : memref<512xi32, #tpu.memory_space<hbm>>) target(%arg11 : memref<512xi32, #tpu.memory_space<vmem>>) target_semaphore(%run_scoped3A : memref<!tpu.dma_semaphore, #tpu.memory_space<semaphore_mem>>)
      %dma_wait3A_229 = arith.constant 0 : i32
      %dma_wait3A_230 = tpu.memref_slice %arg2[%add3A, %dma_wait3A_229] : memref<32x512xi32, #tpu.memory_space<hbm>> -> memref<1x512xi32, #tpu.memory_space<hbm>>
      %dma_wait3A_231 = tpu.memref_squeeze %dma_wait3A_230 : memref<1x512xi32, #tpu.memory_space<hbm>> -> memref<512xi32, #tpu.memory_space<hbm>>
      %dma_wait3A_232 = arith.constant 0 : i32
      %dma_wait3A_233 = tpu.memref_slice %arg2[%add3A, %dma_wait3A_232] : memref<32x512xi32, #tpu.memory_space<hbm>> -> memref<1x512xi32, #tpu.memory_space<hbm>>
      %dma_wait3A_234 = tpu.memref_squeeze %dma_wait3A_233 : memref<1x512xi32, #tpu.memory_space<hbm>> -> memref<512xi32, #tpu.memory_space<hbm>>
      tpu.wait_dma2 semaphore(%run_scoped3A : memref<!tpu.dma_semaphore, #tpu.memory_space<semaphore_mem>>) src(%dma_wait3A_234 : memref<512xi32, #tpu.memory_space<hbm>>) dst(%arg11 : memref<512xi32, #tpu.memory_space<vmem>>)
      tpu.yield
    }) : () -> ()
    "tpu.region"() ({
      %run_scoped3A = tpu.sem_alloc : memref<!tpu.dma_semaphore, #tpu.memory_space<semaphore_mem>>
      %dma_start3A_223 = arith.constant 0 : i32
      %dma_start3A_224 = tpu.memref_slice %arg3[%add3A, %dma_start3A_223] : memref<32x512xi32, #tpu.memory_space<hbm>> -> memref<1x512xi32, #tpu.memory_space<hbm>>
      %dma_start3A_225 = tpu.memref_squeeze %dma_start3A_224 : memref<1x512xi32, #tpu.memory_space<hbm>> -> memref<512xi32, #tpu.memory_space<hbm>>
      %dma_start3A_226 = arith.constant 0 : i32
      %dma_start3A_227 = tpu.memref_slice %arg3[%add3A, %dma_start3A_226] : memref<32x512xi32, #tpu.memory_space<hbm>> -> memref<1x512xi32, #tpu.memory_space<hbm>>
      %dma_start3A_228 = tpu.memref_squeeze %dma_start3A_227 : memref<1x512xi32, #tpu.memory_space<hbm>> -> memref<512xi32, #tpu.memory_space<hbm>>
      tpu.enqueue_dma source(%dma_start3A_228 : memref<512xi32, #tpu.memory_space<hbm>>) target(%arg12 : memref<512xi32, #tpu.memory_space<vmem>>) target_semaphore(%run_scoped3A : memref<!tpu.dma_semaphore, #tpu.memory_space<semaphore_mem>>)
      %dma_wait3A_229 = arith.constant 0 : i32
      %dma_wait3A_230 = tpu.memref_slice %arg3[%add3A, %dma_wait3A_229] : memref<32x512xi32, #tpu.memory_space<hbm>> -> memref<1x512xi32, #tpu.memory_space<hbm>>
      %dma_wait3A_231 = tpu.memref_squeeze %dma_wait3A_230 : memref<1x512xi32, #tpu.memory_space<hbm>> -> memref<512xi32, #tpu.memory_space<hbm>>
      %dma_wait3A_232 = arith.constant 0 : i32
      %dma_wait3A_233 = tpu.memref_slice %arg3[%add3A, %dma_wait3A_232] : memref<32x512xi32, #tpu.memory_space<hbm>> -> memref<1x512xi32, #tpu.memory_space<hbm>>
      %dma_wait3A_234 = tpu.memref_squeeze %dma_wait3A_233 : memref<1x512xi32, #tpu.memory_space<hbm>> -> memref<512xi32, #tpu.memory_space<hbm>>
      tpu.wait_dma2 semaphore(%run_scoped3A : memref<!tpu.dma_semaphore, #tpu.memory_space<semaphore_mem>>) src(%dma_wait3A_234 : memref<512xi32, #tpu.memory_space<hbm>>) dst(%arg12 : memref<512xi32, #tpu.memory_space<vmem>>)
      tpu.yield
    }) : () -> ()
    "tpu.region"() ({
      %run_scoped3A = tpu.sem_alloc : memref<!tpu.dma_semaphore, #tpu.memory_space<semaphore_mem>>
      %dma_start3A_223 = arith.constant 0 : i32
      %dma_start3A_224 = tpu.memref_slice %arg4[%add3A, %dma_start3A_223] : memref<32x512xi32, #tpu.memory_space<hbm>> -> memref<1x512xi32, #tpu.memory_space<hbm>>
      %dma_start3A_225 = tpu.memref_squeeze %dma_start3A_224 : memref<1x512xi32, #tpu.memory_space<hbm>> -> memref<512xi32, #tpu.memory_space<hbm>>
      %dma_start3A_226 = arith.constant 0 : i32
      %dma_start3A_227 = tpu.memref_slice %arg4[%add3A, %dma_start3A_226] : memref<32x512xi32, #tpu.memory_space<hbm>> -> memref<1x512xi32, #tpu.memory_space<hbm>>
      %dma_start3A_228 = tpu.memref_squeeze %dma_start3A_227 : memref<1x512xi32, #tpu.memory_space<hbm>> -> memref<512xi32, #tpu.memory_space<hbm>>
      tpu.enqueue_dma source(%dma_start3A_228 : memref<512xi32, #tpu.memory_space<hbm>>) target(%arg13 : memref<512xi32, #tpu.memory_space<vmem>>) target_semaphore(%run_scoped3A : memref<!tpu.dma_semaphore, #tpu.memory_space<semaphore_mem>>)
      %dma_wait3A_229 = arith.constant 0 : i32
      %dma_wait3A_230 = tpu.memref_slice %arg4[%add3A, %dma_wait3A_229] : memref<32x512xi32, #tpu.memory_space<hbm>> -> memref<1x512xi32, #tpu.memory_space<hbm>>
      %dma_wait3A_231 = tpu.memref_squeeze %dma_wait3A_230 : memref<1x512xi32, #tpu.memory_space<hbm>> -> memref<512xi32, #tpu.memory_space<hbm>>
      %dma_wait3A_232 = arith.constant 0 : i32
      %dma_wait3A_233 = tpu.memref_slice %arg4[%add3A, %dma_wait3A_232] : memref<32x512xi32, #tpu.memory_space<hbm>> -> memref<1x512xi32, #tpu.memory_space<hbm>>
      %dma_wait3A_234 = tpu.memref_squeeze %dma_wait3A_233 : memref<1x512xi32, #tpu.memory_space<hbm>> -> memref<512xi32, #tpu.memory_space<hbm>>
      tpu.wait_dma2 semaphore(%run_scoped3A : memref<!tpu.dma_semaphore, #tpu.memory_space<semaphore_mem>>) src(%dma_wait3A_234 : memref<512xi32, #tpu.memory_space<hbm>>) dst(%arg13 : memref<512xi32, #tpu.memory_space<vmem>>)
      tpu.yield
    }) : () -> ()
    "tpu.region"() ({
      %run_scoped3A = tpu.sem_alloc : memref<!tpu.dma_semaphore, #tpu.memory_space<semaphore_mem>>
      tpu.enqueue_dma source(%arg8 : memref<1000xf32, #tpu.memory_space<hbm>>) target(%arg14 : memref<1000xf32, #tpu.memory_space<vmem>>) target_semaphore(%run_scoped3A : memref<!tpu.dma_semaphore, #tpu.memory_space<semaphore_mem>>)
      tpu.wait_dma2 semaphore(%run_scoped3A : memref<!tpu.dma_semaphore, #tpu.memory_space<semaphore_mem>>) src(%arg8 : memref<1000xf32, #tpu.memory_space<hbm>>) dst(%arg14 : memref<1000xf32, #tpu.memory_space<vmem>>)
      tpu.yield
    }) : () -> ()
    "tpu.region"() ({
      %run_scoped3A = tpu.sem_alloc : memref<!tpu.dma_semaphore, #tpu.memory_space<semaphore_mem>>
      tpu.enqueue_dma source(%arg9 : memref<8x16xf32, #tpu.memory_space<hbm>>) target(%arg15 : memref<8x16xf32, #tpu.memory_space<vmem>>) target_semaphore(%run_scoped3A : memref<!tpu.dma_semaphore, #tpu.memory_space<semaphore_mem>>)
      tpu.wait_dma2 semaphore(%run_scoped3A : memref<!tpu.dma_semaphore, #tpu.memory_space<semaphore_mem>>) src(%arg9 : memref<8x16xf32, #tpu.memory_space<hbm>>) dst(%arg15 : memref<8x16xf32, #tpu.memory_space<vmem>>)
      tpu.yield
    }) : () -> ()
    %scan3A = arith.constant 0 : i32
    %scan3A_1 = arith.constant 0 : i32
    %scan3A_2 = arith.constant 32 : i32
    %scan3A_3 = arith.addi %scan3A_1, %scan3A_2 : i32
    %scan3A_4 = arith.constant 1 : i32
    scf.for %scan3A_223 = %scan3A_1 to %scan3A_3 step %scan3A_4  : i32 {
      %mul3A_224 = arith.constant 16 : i32
      %mul3A_225 = arith.muli %scan3A_223, %mul3A_224 : i32
      %get3A_226 = arith.index_cast %mul3A_225 : i32 to index
      %get3A_227 = tpu.vector_load %arg11[%get3A_226] {strides = array<i32>} : memref<512xi32, #tpu.memory_space<vmem>>, vector<16xi32>,
      %ge3A = arith.constant 0 : i32
      %ge3A_228 = vector.broadcast %ge3A : i32 to vector<16xi32>
      %ge3A_229 = arith.cmpi sge, %get3A_227, %ge3A_228 : vector<16xi32>
      %lt3A = arith.constant 100000 : i32
      %lt3A_230 = vector.broadcast %lt3A : i32 to vector<16xi32>
      %lt3A_231 = arith.cmpi slt, %get3A_227, %lt3A_230 : vector<16xi32>
      %and3A = arith.andi %ge3A_229, %lt3A_231 : vector<16xi1>
      %add3A_232 = arith.constant 1 : i32
      %add3A_233 = vector.broadcast %add3A_232 : i32 to vector<16xi32>
      %add3A_234 = arith.addi %get3A_227, %add3A_233 : vector<16xi32>
      %jit3A = arith.constant 0 : i32
      %broadcast_in_dim3A = vector.broadcast %jit3A : i32 to vector<16xi32>
      %select_n3A = arith.select %and3A, %add3A_234, %broadcast_in_dim3A : vector<16xi1>, vector<16xi32>
      %swap3A = arith.index_cast %mul3A_225 : i32 to index
      %swap3A_235 = tpu.vector_load %arg16[%swap3A] {strides = array<i32>} : memref<512xi32, #tpu.memory_space<vmem>>, vector<16xi32>,
      tpu.vector_store %arg16[%swap3A], %select_n3A {strides = array<i32>} : memref<512xi32, #tpu.memory_space<vmem>>, vector<16xi32>,
      %get3A_236 = arith.index_cast %mul3A_225 : i32 to index
      %get3A_237 = tpu.vector_load %arg12[%get3A_236] {strides = array<i32>} : memref<512xi32, #tpu.memory_space<vmem>>, vector<16xi32>,
      %ge3A_238 = arith.constant 0 : i32
      %ge3A_239 = vector.broadcast %ge3A_238 : i32 to vector<16xi32>
      %ge3A_240 = arith.cmpi sge, %get3A_237, %ge3A_239 : vector<16xi32>
      %lt3A_241 = arith.constant 100000 : i32
      %lt3A_242 = vector.broadcast %lt3A_241 : i32 to vector<16xi32>
      %lt3A_243 = arith.cmpi slt, %get3A_237, %lt3A_242 : vector<16xi32>
      %and3A_244 = arith.andi %ge3A_240, %lt3A_243 : vector<16xi1>
      %add3A_245 = arith.constant 1 : i32
      %add3A_246 = vector.broadcast %add3A_245 : i32 to vector<16xi32>
      %add3A_247 = arith.addi %get3A_237, %add3A_246 : vector<16xi32>
      %jit3A_248 = arith.constant 0 : i32
      %broadcast_in_dim3A_249 = vector.broadcast %jit3A_248 : i32 to vector<16xi32>
      %select_n3A_250 = arith.select %and3A_244, %add3A_247, %broadcast_in_dim3A_249 : vector<16xi1>, vector<16xi32>
      %swap3A_251 = arith.index_cast %mul3A_225 : i32 to index
      %swap3A_252 = tpu.vector_load %arg17[%swap3A_251] {strides = array<i32>} : memref<512xi32, #tpu.memory_space<vmem>>, vector<16xi32>,
      tpu.vector_store %arg17[%swap3A_251], %select_n3A_250 {strides = array<i32>} : memref<512xi32, #tpu.memory_space<vmem>>, vector<16xi32>,
    }
    %scan3A_5 = arith.constant 32 : i32
    %dma_start3A = arith.constant 0 : i32
    %dma_start3A_6 = arith.constant 0 : i32
    %dma_start3A_7 = tpu.memref_slice %arg19[%dma_start3A, %dma_start3A_6] : memref<512x32xf32, #tpu.memory_space<vmem>> -> memref<128x32xf32, #tpu.memory_space<vmem>>
    %dma_start3A_8 = arith.constant 0 : i32
    %dma_start3A_9 = tpu.memref_slice %arg16[%dma_start3A_8] : memref<512xi32, #tpu.memory_space<vmem>> -> memref<128xi32, #tpu.memory_space<vmem>>
    %dma_start3A_10 = arith.constant 0 : i32
    %dma_start3A_11 = arith.constant 0 : i32
    %dma_start3A_12 = tpu.memref_slice %arg5[%dma_start3A_10, %dma_start3A_11] : memref<100001x32xf32, #tpu.memory_space<hbm>> -> memref<100001x32xf32, #tpu.memory_space<hbm>>
    tpu.enqueue_indirect_dma source(%dma_start3A_12 : memref<100001x32xf32, #tpu.memory_space<hbm>>) target(%dma_start3A_7 : memref<128x32xf32, #tpu.memory_space<vmem>>) offsets(%dma_start3A_9 : memref<128xi32, #tpu.memory_space<vmem>>) semaphore(%arg23 : memref<!tpu.dma_semaphore, #tpu.memory_space<semaphore_mem>>)
    %dma_start3A_13 = arith.constant 128 : i32
    %dma_start3A_14 = arith.constant 0 : i32
    %dma_start3A_15 = tpu.memref_slice %arg19[%dma_start3A_13, %dma_start3A_14] : memref<512x32xf32, #tpu.memory_space<vmem>> -> memref<128x32xf32, #tpu.memory_space<vmem>>
    %dma_start3A_16 = arith.constant 128 : i32
    %dma_start3A_17 = tpu.memref_slice %arg16[%dma_start3A_16] : memref<512xi32, #tpu.memory_space<vmem>> -> memref<128xi32, #tpu.memory_space<vmem>>
    %dma_start3A_18 = arith.constant 0 : i32
    %dma_start3A_19 = arith.constant 0 : i32
    %dma_start3A_20 = tpu.memref_slice %arg5[%dma_start3A_18, %dma_start3A_19] : memref<100001x32xf32, #tpu.memory_space<hbm>> -> memref<100001x32xf32, #tpu.memory_space<hbm>>
    tpu.enqueue_indirect_dma source(%dma_start3A_20 : memref<100001x32xf32, #tpu.memory_space<hbm>>) target(%dma_start3A_15 : memref<128x32xf32, #tpu.memory_space<vmem>>) offsets(%dma_start3A_17 : memref<128xi32, #tpu.memory_space<vmem>>) semaphore(%arg23 : memref<!tpu.dma_semaphore, #tpu.memory_space<semaphore_mem>>)
    %dma_start3A_21 = arith.constant 256 : i32
    %dma_start3A_22 = arith.constant 0 : i32
    %dma_start3A_23 = tpu.memref_slice %arg19[%dma_start3A_21, %dma_start3A_22] : memref<512x32xf32, #tpu.memory_space<vmem>> -> memref<128x32xf32, #tpu.memory_space<vmem>>
    %dma_start3A_24 = arith.constant 256 : i32
    %dma_start3A_25 = tpu.memref_slice %arg16[%dma_start3A_24] : memref<512xi32, #tpu.memory_space<vmem>> -> memref<128xi32, #tpu.memory_space<vmem>>
    %dma_start3A_26 = arith.constant 0 : i32
    %dma_start3A_27 = arith.constant 0 : i32
    %dma_start3A_28 = tpu.memref_slice %arg5[%dma_start3A_26, %dma_start3A_27] : memref<100001x32xf32, #tpu.memory_space<hbm>> -> memref<100001x32xf32, #tpu.memory_space<hbm>>
    tpu.enqueue_indirect_dma source(%dma_start3A_28 : memref<100001x32xf32, #tpu.memory_space<hbm>>) target(%dma_start3A_23 : memref<128x32xf32, #tpu.memory_space<vmem>>) offsets(%dma_start3A_25 : memref<128xi32, #tpu.memory_space<vmem>>) semaphore(%arg23 : memref<!tpu.dma_semaphore, #tpu.memory_space<semaphore_mem>>)
    %dma_start3A_29 = arith.constant 384 : i32
    %dma_start3A_30 = arith.constant 0 : i32
    %dma_start3A_31 = tpu.memref_slice %arg19[%dma_start3A_29, %dma_start3A_30] : memref<512x32xf32, #tpu.memory_space<vmem>> -> memref<128x32xf32, #tpu.memory_space<vmem>>
    %dma_start3A_32 = arith.constant 384 : i32
    %dma_start3A_33 = tpu.memref_slice %arg16[%dma_start3A_32] : memref<512xi32, #tpu.memory_space<vmem>> -> memref<128xi32, #tpu.memory_space<vmem>>
    %dma_start3A_34 = arith.constant 0 : i32
    %dma_start3A_35 = arith.constant 0 : i32
    %dma_start3A_36 = tpu.memref_slice %arg5[%dma_start3A_34, %dma_start3A_35] : memref<100001x32xf32, #tpu.memory_space<hbm>> -> memref<100001x32xf32, #tpu.memory_space<hbm>>
    tpu.enqueue_indirect_dma source(%dma_start3A_36 : memref<100001x32xf32, #tpu.memory_space<hbm>>) target(%dma_start3A_31 : memref<128x32xf32, #tpu.memory_space<vmem>>) offsets(%dma_start3A_33 : memref<128xi32, #tpu.memory_space<vmem>>) semaphore(%arg23 : memref<!tpu.dma_semaphore, #tpu.memory_space<semaphore_mem>>)
    %dma_start3A_37 = arith.constant 0 : i32
    %dma_start3A_38 = arith.constant 0 : i32
    %dma_start3A_39 = tpu.memref_slice %arg20[%dma_start3A_37, %dma_start3A_38] : memref<512x32xf32, #tpu.memory_space<vmem>> -> memref<128x32xf32, #tpu.memory_space<vmem>>
    %dma_start3A_40 = arith.constant 0 : i32
    %dma_start3A_41 = tpu.memref_slice %arg17[%dma_start3A_40] : memref<512xi32, #tpu.memory_space<vmem>> -> memref<128xi32, #tpu.memory_space<vmem>>
    %dma_start3A_42 = arith.constant 0 : i32
    %dma_start3A_43 = arith.constant 0 : i32
    %dma_start3A_44 = tpu.memref_slice %arg6[%dma_start3A_42, %dma_start3A_43] : memref<100001x32xf32, #tpu.memory_space<hbm>> -> memref<100001x32xf32, #tpu.memory_space<hbm>>
    tpu.enqueue_indirect_dma source(%dma_start3A_44 : memref<100001x32xf32, #tpu.memory_space<hbm>>) target(%dma_start3A_39 : memref<128x32xf32, #tpu.memory_space<vmem>>) offsets(%dma_start3A_41 : memref<128xi32, #tpu.memory_space<vmem>>) semaphore(%arg24 : memref<!tpu.dma_semaphore, #tpu.memory_space<semaphore_mem>>)
    %dma_start3A_45 = arith.constant 128 : i32
    %dma_start3A_46 = arith.constant 0 : i32
    %dma_start3A_47 = tpu.memref_slice %arg20[%dma_start3A_45, %dma_start3A_46] : memref<512x32xf32, #tpu.memory_space<vmem>> -> memref<128x32xf32, #tpu.memory_space<vmem>>
    %dma_start3A_48 = arith.constant 128 : i32
    %dma_start3A_49 = tpu.memref_slice %arg17[%dma_start3A_48] : memref<512xi32, #tpu.memory_space<vmem>> -> memref<128xi32, #tpu.memory_space<vmem>>
    %dma_start3A_50 = arith.constant 0 : i32
    %dma_start3A_51 = arith.constant 0 : i32
    %dma_start3A_52 = tpu.memref_slice %arg6[%dma_start3A_50, %dma_start3A_51] : memref<100001x32xf32, #tpu.memory_space<hbm>> -> memref<100001x32xf32, #tpu.memory_space<hbm>>
    tpu.enqueue_indirect_dma source(%dma_start3A_52 : memref<100001x32xf32, #tpu.memory_space<hbm>>) target(%dma_start3A_47 : memref<128x32xf32, #tpu.memory_space<vmem>>) offsets(%dma_start3A_49 : memref<128xi32, #tpu.memory_space<vmem>>) semaphore(%arg24 : memref<!tpu.dma_semaphore, #tpu.memory_space<semaphore_mem>>)
    %dma_start3A_53 = arith.constant 256 : i32
    %dma_start3A_54 = arith.constant 0 : i32
    %dma_start3A_55 = tpu.memref_slice %arg20[%dma_start3A_53, %dma_start3A_54] : memref<512x32xf32, #tpu.memory_space<vmem>> -> memref<128x32xf32, #tpu.memory_space<vmem>>
    %dma_start3A_56 = arith.constant 256 : i32
    %dma_start3A_57 = tpu.memref_slice %arg17[%dma_start3A_56] : memref<512xi32, #tpu.memory_space<vmem>> -> memref<128xi32, #tpu.memory_space<vmem>>
    %dma_start3A_58 = arith.constant 0 : i32
    %dma_start3A_59 = arith.constant 0 : i32
    %dma_start3A_60 = tpu.memref_slice %arg6[%dma_start3A_58, %dma_start3A_59] : memref<100001x32xf32, #tpu.memory_space<hbm>> -> memref<100001x32xf32, #tpu.memory_space<hbm>>
    tpu.enqueue_indirect_dma source(%dma_start3A_60 : memref<100001x32xf32, #tpu.memory_space<hbm>>) target(%dma_start3A_55 : memref<128x32xf32, #tpu.memory_space<vmem>>) offsets(%dma_start3A_57 : memref<128xi32, #tpu.memory_space<vmem>>) semaphore(%arg24 : memref<!tpu.dma_semaphore, #tpu.memory_space<semaphore_mem>>)
    %dma_start3A_61 = arith.constant 384 : i32
    %dma_start3A_62 = arith.constant 0 : i32
    %dma_start3A_63 = tpu.memref_slice %arg20[%dma_start3A_61, %dma_start3A_62] : memref<512x32xf32, #tpu.memory_space<vmem>> -> memref<128x32xf32, #tpu.memory_space<vmem>>
    %dma_start3A_64 = arith.constant 384 : i32
    %dma_start3A_65 = tpu.memref_slice %arg17[%dma_start3A_64] : memref<512xi32, #tpu.memory_space<vmem>> -> memref<128xi32, #tpu.memory_space<vmem>>
    %dma_start3A_66 = arith.constant 0 : i32
    %dma_start3A_67 = arith.constant 0 : i32
    %dma_start3A_68 = tpu.memref_slice %arg6[%dma_start3A_66, %dma_start3A_67] : memref<100001x32xf32, #tpu.memory_space<hbm>> -> memref<100001x32xf32, #tpu.memory_space<hbm>>
    tpu.enqueue_indirect_dma source(%dma_start3A_68 : memref<100001x32xf32, #tpu.memory_space<hbm>>) target(%dma_start3A_63 : memref<128x32xf32, #tpu.memory_space<vmem>>) offsets(%dma_start3A_65 : memref<128xi32, #tpu.memory_space<vmem>>) semaphore(%arg24 : memref<!tpu.dma_semaphore, #tpu.memory_space<semaphore_mem>>)
    %get3A = arith.constant 0 : i32
    %get3A_69 = arith.index_cast %get3A : i32 to index
    %get3A_70 = arith.constant 0 : index
    %get3A_71 = tpu.vector_load %arg15[%get3A_69, %get3A_70] {strides = array<i32>} : memref<8x16xf32, #tpu.memory_space<vmem>>, vector<16xf32>,
    %get3A_72 = arith.constant 1 : i32
    %get3A_73 = arith.index_cast %get3A_72 : i32 to index
    %get3A_74 = arith.constant 0 : index
    %get3A_75 = tpu.vector_load %arg15[%get3A_73, %get3A_74] {strides = array<i32>} : memref<8x16xf32, #tpu.memory_space<vmem>>, vector<16xf32>,
    %get3A_76 = arith.constant 2 : i32
    %get3A_77 = arith.index_cast %get3A_76 : i32 to index
    %get3A_78 = arith.constant 0 : index
    %get3A_79 = tpu.vector_load %arg15[%get3A_77, %get3A_78] {strides = array<i32>} : memref<8x16xf32, #tpu.memory_space<vmem>>, vector<16xf32>,
    %get3A_80 = arith.constant 3 : i32
    %get3A_81 = arith.index_cast %get3A_80 : i32 to index
    %get3A_82 = arith.constant 0 : index
    %get3A_83 = tpu.vector_load %arg15[%get3A_81, %get3A_82] {strides = array<i32>} : memref<8x16xf32, #tpu.memory_space<vmem>>, vector<16xf32>,
    %get3A_84 = arith.constant 4 : i32
    %get3A_85 = arith.index_cast %get3A_84 : i32 to index
    %get3A_86 = arith.constant 0 : index
    %get3A_87 = tpu.vector_load %arg15[%get3A_85, %get3A_86] {strides = array<i32>} : memref<8x16xf32, #tpu.memory_space<vmem>>, vector<16xf32>,
    %scan3A_88 = arith.constant 0 : i32
    %scan3A_89 = arith.constant 0 : i32
    %scan3A_90 = arith.constant 32 : i32
    %scan3A_91 = arith.addi %scan3A_89, %scan3A_90 : i32
    %scan3A_92 = arith.constant 1 : i32
    scf.for %scan3A_223 = %scan3A_89 to %scan3A_91 step %scan3A_92  : i32 {
      %mul3A_224 = arith.constant 16 : i32
      %mul3A_225 = arith.muli %scan3A_223, %mul3A_224 : i32
      %get3A_226 = arith.index_cast %mul3A_225 : i32 to index
      %get3A_227 = tpu.vector_load %arg13[%get3A_226] {strides = array<i32>} : memref<512xi32, #tpu.memory_space<vmem>>, vector<16xi32>,
      %convert_element_type3A = arith.sitofp %get3A_227 : vector<16xi32> to vector<16xf32>
      %sub3A = arith.subf %convert_element_type3A, %get3A_79 : vector<16xf32>
      %mul3A_228 = arith.mulf %sub3A, %get3A_83 : vector<16xf32>
      %convert_element_type3A_229 = arith.fptosi %mul3A_228 : vector<16xf32> to vector<16xi32>
      %sub3A_230 = arith.constant 1 : i32
      %sub3A_231 = vector.broadcast %sub3A_230 : i32 to vector<16xi32>
      %sub3A_232 = arith.subi %convert_element_type3A_229, %sub3A_231 : vector<16xi32>
      %max3A = arith.constant 0 : i32
      %max3A_233 = vector.broadcast %max3A : i32 to vector<16xi32>
      %max3A_234 = arith.maxsi %sub3A_232, %max3A_233 : vector<16xi32>
      %min3A = arith.constant 999 : i32
      %min3A_235 = vector.broadcast %min3A : i32 to vector<16xi32>
      %min3A_236 = arith.minsi %max3A_234, %min3A_235 : vector<16xi32>
      %add3A_237 = arith.constant 0 : i32
      %add3A_238 = vector.broadcast %add3A_237 : i32 to vector<16xi32>
      %add3A_239 = arith.addi %min3A_236, %add3A_238 : vector<16xi32>
      %min3A_240 = arith.constant 999 : i32
      %min3A_241 = vector.broadcast %min3A_240 : i32 to vector<16xi32>
      %min3A_242 = arith.minsi %add3A_239, %min3A_241 : vector<16xi32>
      %gather3A = tpu.vector_load_idx %arg14[%min3A_242] : memref<1000xf32, #tpu.memory_space<vmem>>[vector<16xi32>], vector<16xf32>,
      %le3A = arith.cmpf ole, %gather3A, %convert_element_type3A : vector<16xf32>
      %jit3A = arith.constant 1 : i32
      %jit3A_243 = arith.constant 0 : i32
      %broadcast_in_dim3A = vector.broadcast %jit3A : i32 to vector<16xi32>
      %broadcast_in_dim3A_244 = vector.broadcast %jit3A_243 : i32 to vector<16xi32>
      %select_n3A = arith.select %le3A, %broadcast_in_dim3A, %broadcast_in_dim3A_244 : vector<16xi1>, vector<16xi32>
      %add3A_245 = arith.addi %min3A_236, %select_n3A : vector<16xi32>
      %add3A_246 = arith.constant 1 : i32
      %add3A_247 = vector.broadcast %add3A_246 : i32 to vector<16xi32>
      %add3A_248 = arith.addi %min3A_236, %add3A_247 : vector<16xi32>
      %min3A_249 = arith.constant 999 : i32
      %min3A_250 = vector.broadcast %min3A_249 : i32 to vector<16xi32>
      %min3A_251 = arith.minsi %add3A_248, %min3A_250 : vector<16xi32>
      %gather3A_252 = tpu.vector_load_idx %arg14[%min3A_251] : memref<1000xf32, #tpu.memory_space<vmem>>[vector<16xi32>], vector<16xf32>,
      %le3A_253 = arith.cmpf ole, %gather3A_252, %convert_element_type3A : vector<16xf32>
      %jit3A_254 = arith.constant 1 : i32
      %jit3A_255 = arith.constant 0 : i32
      %broadcast_in_dim3A_256 = vector.broadcast %jit3A_254 : i32 to vector<16xi32>
      %broadcast_in_dim3A_257 = vector.broadcast %jit3A_255 : i32 to vector<16xi32>
      %select_n3A_258 = arith.select %le3A_253, %broadcast_in_dim3A_256, %broadcast_in_dim3A_257 : vector<16xi1>, vector<16xi32>
      %add3A_259 = arith.addi %add3A_245, %select_n3A_258 : vector<16xi32>
      %add3A_260 = arith.constant 2 : i32
      %add3A_261 = vector.broadcast %add3A_260 : i32 to vector<16xi32>
      %add3A_262 = arith.addi %min3A_236, %add3A_261 : vector<16xi32>
      %min3A_263 = arith.constant 999 : i32
      %min3A_264 = vector.broadcast %min3A_263 : i32 to vector<16xi32>
      %min3A_265 = arith.minsi %add3A_262, %min3A_264 : vector<16xi32>
      %gather3A_266 = tpu.vector_load_idx %arg14[%min3A_265] : memref<1000xf32, #tpu.memory_space<vmem>>[vector<16xi32>], vector<16xf32>,
      %le3A_267 = arith.cmpf ole, %gather3A_266, %convert_element_type3A : vector<16xf32>
      %jit3A_268 = arith.constant 1 : i32
      %jit3A_269 = arith.constant 0 : i32
      %broadcast_in_dim3A_270 = vector.broadcast %jit3A_268 : i32 to vector<16xi32>
      %broadcast_in_dim3A_271 = vector.broadcast %jit3A_269 : i32 to vector<16xi32>
      %select_n3A_272 = arith.select %le3A_267, %broadcast_in_dim3A_270, %broadcast_in_dim3A_271 : vector<16xi1>, vector<16xi32>
      %add3A_273 = arith.addi %add3A_259, %select_n3A_272 : vector<16xi32>
      %add3A_274 = arith.constant 3 : i32
      %add3A_275 = vector.broadcast %add3A_274 : i32 to vector<16xi32>
      %add3A_276 = arith.addi %min3A_236, %add3A_275 : vector<16xi32>
      %min3A_277 = arith.constant 999 : i32
      %min3A_278 = vector.broadcast %min3A_277 : i32 to vector<16xi32>
      %min3A_279 = arith.minsi %add3A_276, %min3A_278 : vector<16xi32>
      %gather3A_280 = tpu.vector_load_idx %arg14[%min3A_279] : memref<1000xf32, #tpu.memory_space<vmem>>[vector<16xi32>], vector<16xf32>,
      %le3A_281 = arith.cmpf ole, %gather3A_280, %convert_element_type3A : vector<16xf32>
      %jit3A_282 = arith.constant 1 : i32
      %jit3A_283 = arith.constant 0 : i32
      %broadcast_in_dim3A_284 = vector.broadcast %jit3A_282 : i32 to vector<16xi32>
      %broadcast_in_dim3A_285 = vector.broadcast %jit3A_283 : i32 to vector<16xi32>
      %select_n3A_286 = arith.select %le3A_281, %broadcast_in_dim3A_284, %broadcast_in_dim3A_285 : vector<16xi1>, vector<16xi32>
      %add3A_287 = arith.addi %add3A_273, %select_n3A_286 : vector<16xi32>
      %ge3A = arith.cmpf oge, %convert_element_type3A, %get3A_87 : vector<16xf32>
      %jit3A_288 = arith.constant 1000 : i32
      %broadcast_in_dim3A_289 = vector.broadcast %jit3A_288 : i32 to vector<16xi32>
      %select_n3A_290 = arith.select %ge3A, %broadcast_in_dim3A_289, %add3A_287 : vector<16xi1>, vector<16xi32>
      %swap3A = arith.index_cast %mul3A_225 : i32 to index
      %swap3A_291 = tpu.vector_load %arg18[%swap3A] {strides = array<i32>} : memref<512xi32, #tpu.memory_space<vmem>>, vector<16xi32>,
      tpu.vector_store %arg18[%swap3A], %select_n3A_290 {strides = array<i32>} : memref<512xi32, #tpu.memory_space<vmem>>, vector<16xi32>,
      %iota3A = tpu.iota {dimensions = array<i32: 0>} : vector<16xi32>
      %add3A_292 = vector.broadcast %mul3A_225 : i32 to vector<16xi32>
      %add3A_293 = arith.addi %add3A_292, %iota3A : vector<16xi32>
      %broadcast_in_dim3A_294 = arith.constant 0 : i32
      %broadcast_in_dim3A_295 = vector.broadcast %broadcast_in_dim3A_294 : i32 to vector<16xi32>
      %mul3A_296 = arith.mulf %convert_element_type3A, %get3A_71 : vector<16xf32>
      %add3A_297 = arith.addf %mul3A_296, %get3A_75 : vector<16xf32>
      tpu.vector_store_idx %arg22[%add3A_293, %broadcast_in_dim3A_295], %add3A_297 : memref<512x1xf32, #tpu.memory_space<vmem>>[vector<16xi32>, vector<16xi32>], vector<16xf32>,
    }
    %scan3A_93 = arith.constant 32 : i32
    %dma_start3A_94 = arith.constant 0 : i32
    %dma_start3A_95 = arith.constant 0 : i32
    %dma_start3A_96 = tpu.memref_slice %arg21[%dma_start3A_94, %dma_start3A_95] : memref<512x32xf32, #tpu.memory_space<vmem>> -> memref<128x32xf32, #tpu.memory_space<vmem>>
    %dma_start3A_97 = arith.constant 0 : i32
    %dma_start3A_98 = tpu.memref_slice %arg18[%dma_start3A_97] : memref<512xi32, #tpu.memory_space<vmem>> -> memref<128xi32, #tpu.memory_space<vmem>>
    %dma_start3A_99 = arith.constant 0 : i32
    %dma_start3A_100 = arith.constant 0 : i32
    %dma_start3A_101 = tpu.memref_slice %arg7[%dma_start3A_99, %dma_start3A_100] : memref<1002x32xf32, #tpu.memory_space<hbm>> -> memref<1002x32xf32, #tpu.memory_space<hbm>>
    tpu.enqueue_indirect_dma source(%dma_start3A_101 : memref<1002x32xf32, #tpu.memory_space<hbm>>) target(%dma_start3A_96 : memref<128x32xf32, #tpu.memory_space<vmem>>) offsets(%dma_start3A_98 : memref<128xi32, #tpu.memory_space<vmem>>) semaphore(%arg25 : memref<!tpu.dma_semaphore, #tpu.memory_space<semaphore_mem>>)
    %dma_start3A_102 = arith.constant 128 : i32
    %dma_start3A_103 = arith.constant 0 : i32
    %dma_start3A_104 = tpu.memref_slice %arg21[%dma_start3A_102, %dma_start3A_103] : memref<512x32xf32, #tpu.memory_space<vmem>> -> memref<128x32xf32, #tpu.memory_space<vmem>>
    %dma_start3A_105 = arith.constant 128 : i32
    %dma_start3A_106 = tpu.memref_slice %arg18[%dma_start3A_105] : memref<512xi32, #tpu.memory_space<vmem>> -> memref<128xi32, #tpu.memory_space<vmem>>
    %dma_start3A_107 = arith.constant 0 : i32
    %dma_start3A_108 = arith.constant 0 : i32
    %dma_start3A_109 = tpu.memref_slice %arg7[%dma_start3A_107, %dma_start3A_108] : memref<1002x32xf32, #tpu.memory_space<hbm>> -> memref<1002x32xf32, #tpu.memory_space<hbm>>
    tpu.enqueue_indirect_dma source(%dma_start3A_109 : memref<1002x32xf32, #tpu.memory_space<hbm>>) target(%dma_start3A_104 : memref<128x32xf32, #tpu.memory_space<vmem>>) offsets(%dma_start3A_106 : memref<128xi32, #tpu.memory_space<vmem>>) semaphore(%arg25 : memref<!tpu.dma_semaphore, #tpu.memory_space<semaphore_mem>>)
    %dma_start3A_110 = arith.constant 256 : i32
    %dma_start3A_111 = arith.constant 0 : i32
    %dma_start3A_112 = tpu.memref_slice %arg21[%dma_start3A_110, %dma_start3A_111] : memref<512x32xf32, #tpu.memory_space<vmem>> -> memref<128x32xf32, #tpu.memory_space<vmem>>
    %dma_start3A_113 = arith.constant 256 : i32
    %dma_start3A_114 = tpu.memref_slice %arg18[%dma_start3A_113] : memref<512xi32, #tpu.memory_space<vmem>> -> memref<128xi32, #tpu.memory_space<vmem>>
    %dma_start3A_115 = arith.constant 0 : i32
    %dma_start3A_116 = arith.constant 0 : i32
    %dma_start3A_117 = tpu.memref_slice %arg7[%dma_start3A_115, %dma_start3A_116] : memref<1002x32xf32, #tpu.memory_space<hbm>> -> memref<1002x32xf32, #tpu.memory_space<hbm>>
    tpu.enqueue_indirect_dma source(%dma_start3A_117 : memref<1002x32xf32, #tpu.memory_space<hbm>>) target(%dma_start3A_112 : memref<128x32xf32, #tpu.memory_space<vmem>>) offsets(%dma_start3A_114 : memref<128xi32, #tpu.memory_space<vmem>>) semaphore(%arg25 : memref<!tpu.dma_semaphore, #tpu.memory_space<semaphore_mem>>)
    %dma_start3A_118 = arith.constant 384 : i32
    %dma_start3A_119 = arith.constant 0 : i32
    %dma_start3A_120 = tpu.memref_slice %arg21[%dma_start3A_118, %dma_start3A_119] : memref<512x32xf32, #tpu.memory_space<vmem>> -> memref<128x32xf32, #tpu.memory_space<vmem>>
    %dma_start3A_121 = arith.constant 384 : i32
    %dma_start3A_122 = tpu.memref_slice %arg18[%dma_start3A_121] : memref<512xi32, #tpu.memory_space<vmem>> -> memref<128xi32, #tpu.memory_space<vmem>>
    %dma_start3A_123 = arith.constant 0 : i32
    %dma_start3A_124 = arith.constant 0 : i32
    %dma_start3A_125 = tpu.memref_slice %arg7[%dma_start3A_123, %dma_start3A_124] : memref<1002x32xf32, #tpu.memory_space<hbm>> -> memref<1002x32xf32, #tpu.memory_space<hbm>>
    tpu.enqueue_indirect_dma source(%dma_start3A_125 : memref<1002x32xf32, #tpu.memory_space<hbm>>) target(%dma_start3A_120 : memref<128x32xf32, #tpu.memory_space<vmem>>) offsets(%dma_start3A_122 : memref<128xi32, #tpu.memory_space<vmem>>) semaphore(%arg25 : memref<!tpu.dma_semaphore, #tpu.memory_space<semaphore_mem>>)
    %mul3A_126 = arith.constant 512 : i32
    %mul3A_127 = arith.muli %add3A, %mul3A_126 : i32
    %dma_wait3A = arith.constant 0 : i32
    %dma_wait3A_128 = arith.constant 0 : i32
    %dma_wait3A_129 = tpu.memref_slice %arg19[%dma_wait3A, %dma_wait3A_128] : memref<512x32xf32, #tpu.memory_space<vmem>> -> memref<128x32xf32, #tpu.memory_space<vmem>>
    %dma_wait3A_130 = arith.constant 0 : i32
    %dma_wait3A_131 = tpu.memref_slice %arg16[%dma_wait3A_130] : memref<512xi32, #tpu.memory_space<vmem>> -> memref<128xi32, #tpu.memory_space<vmem>>
    %dma_wait3A_132 = arith.constant 0 : i32
    %dma_wait3A_133 = arith.constant 0 : i32
    %dma_wait3A_134 = tpu.memref_slice %arg5[%dma_wait3A_132, %dma_wait3A_133] : memref<100001x32xf32, #tpu.memory_space<hbm>> -> memref<100001x32xf32, #tpu.memory_space<hbm>>
    tpu.wait_indirect_dma semaphore(%arg23 : memref<!tpu.dma_semaphore, #tpu.memory_space<semaphore_mem>>) src(%dma_wait3A_134 : memref<100001x32xf32, #tpu.memory_space<hbm>>) dst(%dma_wait3A_129 : memref<128x32xf32, #tpu.memory_space<vmem>>)
    %dma_wait3A_135 = arith.constant 128 : i32
    %dma_wait3A_136 = arith.constant 0 : i32
    %dma_wait3A_137 = tpu.memref_slice %arg19[%dma_wait3A_135, %dma_wait3A_136] : memref<512x32xf32, #tpu.memory_space<vmem>> -> memref<128x32xf32, #tpu.memory_space<vmem>>
    %dma_wait3A_138 = arith.constant 128 : i32
    %dma_wait3A_139 = tpu.memref_slice %arg16[%dma_wait3A_138] : memref<512xi32, #tpu.memory_space<vmem>> -> memref<128xi32, #tpu.memory_space<vmem>>
    %dma_wait3A_140 = arith.constant 0 : i32
    %dma_wait3A_141 = arith.constant 0 : i32
    %dma_wait3A_142 = tpu.memref_slice %arg5[%dma_wait3A_140, %dma_wait3A_141] : memref<100001x32xf32, #tpu.memory_space<hbm>> -> memref<100001x32xf32, #tpu.memory_space<hbm>>
    tpu.wait_indirect_dma semaphore(%arg23 : memref<!tpu.dma_semaphore, #tpu.memory_space<semaphore_mem>>) src(%dma_wait3A_142 : memref<100001x32xf32, #tpu.memory_space<hbm>>) dst(%dma_wait3A_137 : memref<128x32xf32, #tpu.memory_space<vmem>>)
    %dma_wait3A_143 = arith.constant 256 : i32
    %dma_wait3A_144 = arith.constant 0 : i32
    %dma_wait3A_145 = tpu.memref_slice %arg19[%dma_wait3A_143, %dma_wait3A_144] : memref<512x32xf32, #tpu.memory_space<vmem>> -> memref<128x32xf32, #tpu.memory_space<vmem>>
    %dma_wait3A_146 = arith.constant 256 : i32
    %dma_wait3A_147 = tpu.memref_slice %arg16[%dma_wait3A_146] : memref<512xi32, #tpu.memory_space<vmem>> -> memref<128xi32, #tpu.memory_space<vmem>>
    %dma_wait3A_148 = arith.constant 0 : i32
    %dma_wait3A_149 = arith.constant 0 : i32
    %dma_wait3A_150 = tpu.memref_slice %arg5[%dma_wait3A_148, %dma_wait3A_149] : memref<100001x32xf32, #tpu.memory_space<hbm>> -> memref<100001x32xf32, #tpu.memory_space<hbm>>
    tpu.wait_indirect_dma semaphore(%arg23 : memref<!tpu.dma_semaphore, #tpu.memory_space<semaphore_mem>>) src(%dma_wait3A_150 : memref<100001x32xf32, #tpu.memory_space<hbm>>) dst(%dma_wait3A_145 : memref<128x32xf32, #tpu.memory_space<vmem>>)
    %dma_wait3A_151 = arith.constant 384 : i32
    %dma_wait3A_152 = arith.constant 0 : i32
    %dma_wait3A_153 = tpu.memref_slice %arg19[%dma_wait3A_151, %dma_wait3A_152] : memref<512x32xf32, #tpu.memory_space<vmem>> -> memref<128x32xf32, #tpu.memory_space<vmem>>
    %dma_wait3A_154 = arith.constant 384 : i32
    %dma_wait3A_155 = tpu.memref_slice %arg16[%dma_wait3A_154] : memref<512xi32, #tpu.memory_space<vmem>> -> memref<128xi32, #tpu.memory_space<vmem>>
    %dma_wait3A_156 = arith.constant 0 : i32
    %dma_wait3A_157 = arith.constant 0 : i32
    %dma_wait3A_158 = tpu.memref_slice %arg5[%dma_wait3A_156, %dma_wait3A_157] : memref<100001x32xf32, #tpu.memory_space<hbm>> -> memref<100001x32xf32, #tpu.memory_space<hbm>>
    tpu.wait_indirect_dma semaphore(%arg23 : memref<!tpu.dma_semaphore, #tpu.memory_space<semaphore_mem>>) src(%dma_wait3A_158 : memref<100001x32xf32, #tpu.memory_space<hbm>>) dst(%dma_wait3A_153 : memref<128x32xf32, #tpu.memory_space<vmem>>)
    "tpu.region"() ({
      %run_scoped3A = tpu.sem_alloc : memref<!tpu.dma_semaphore, #tpu.memory_space<semaphore_mem>>
      %dma_start3A_223 = arith.constant 0 : i32
      %dma_start3A_224 = tpu.memref_slice %arg10[%mul3A_127, %dma_start3A_223] : memref<16384x97xf32, #tpu.memory_space<hbm>> -> memref<512x32xf32, #tpu.memory_space<hbm>>
      %dma_start3A_225 = arith.constant 0 : i32
      %dma_start3A_226 = tpu.memref_slice %arg10[%mul3A_127, %dma_start3A_225] : memref<16384x97xf32, #tpu.memory_space<hbm>> -> memref<512x32xf32, #tpu.memory_space<hbm>>
      tpu.enqueue_dma source(%arg19 : memref<512x32xf32, #tpu.memory_space<vmem>>) target(%dma_start3A_226 : memref<512x32xf32, #tpu.memory_space<hbm>>) target_semaphore(%run_scoped3A : memref<!tpu.dma_semaphore, #tpu.memory_space<semaphore_mem>>)
      %dma_wait3A_227 = arith.constant 0 : i32
      %dma_wait3A_228 = tpu.memref_slice %arg10[%mul3A_127, %dma_wait3A_227] : memref<16384x97xf32, #tpu.memory_space<hbm>> -> memref<512x32xf32, #tpu.memory_space<hbm>>
      %dma_wait3A_229 = arith.constant 0 : i32
      %dma_wait3A_230 = tpu.memref_slice %arg10[%mul3A_127, %dma_wait3A_229] : memref<16384x97xf32, #tpu.memory_space<hbm>> -> memref<512x32xf32, #tpu.memory_space<hbm>>
      tpu.wait_dma2 semaphore(%run_scoped3A : memref<!tpu.dma_semaphore, #tpu.memory_space<semaphore_mem>>) src(%arg19 : memref<512x32xf32, #tpu.memory_space<vmem>>) dst(%dma_wait3A_230 : memref<512x32xf32, #tpu.memory_space<hbm>>)
      tpu.yield
    }) : () -> ()
    %dma_wait3A_159 = arith.constant 0 : i32
    %dma_wait3A_160 = arith.constant 0 : i32
    %dma_wait3A_161 = tpu.memref_slice %arg20[%dma_wait3A_159, %dma_wait3A_160] : memref<512x32xf32, #tpu.memory_space<vmem>> -> memref<128x32xf32, #tpu.memory_space<vmem>>
    %dma_wait3A_162 = arith.constant 0 : i32
    %dma_wait3A_163 = tpu.memref_slice %arg17[%dma_wait3A_162] : memref<512xi32, #tpu.memory_space<vmem>> -> memref<128xi32, #tpu.memory_space<vmem>>
    %dma_wait3A_164 = arith.constant 0 : i32
    %dma_wait3A_165 = arith.constant 0 : i32
    %dma_wait3A_166 = tpu.memref_slice %arg6[%dma_wait3A_164, %dma_wait3A_165] : memref<100001x32xf32, #tpu.memory_space<hbm>> -> memref<100001x32xf32, #tpu.memory_space<hbm>>
    tpu.wait_indirect_dma semaphore(%arg24 : memref<!tpu.dma_semaphore, #tpu.memory_space<semaphore_mem>>) src(%dma_wait3A_166 : memref<100001x32xf32, #tpu.memory_space<hbm>>) dst(%dma_wait3A_161 : memref<128x32xf32, #tpu.memory_space<vmem>>)
    %dma_wait3A_167 = arith.constant 128 : i32
    %dma_wait3A_168 = arith.constant 0 : i32
    %dma_wait3A_169 = tpu.memref_slice %arg20[%dma_wait3A_167, %dma_wait3A_168] : memref<512x32xf32, #tpu.memory_space<vmem>> -> memref<128x32xf32, #tpu.memory_space<vmem>>
    %dma_wait3A_170 = arith.constant 128 : i32
    %dma_wait3A_171 = tpu.memref_slice %arg17[%dma_wait3A_170] : memref<512xi32, #tpu.memory_space<vmem>> -> memref<128xi32, #tpu.memory_space<vmem>>
    %dma_wait3A_172 = arith.constant 0 : i32
    %dma_wait3A_173 = arith.constant 0 : i32
    %dma_wait3A_174 = tpu.memref_slice %arg6[%dma_wait3A_172, %dma_wait3A_173] : memref<100001x32xf32, #tpu.memory_space<hbm>> -> memref<100001x32xf32, #tpu.memory_space<hbm>>
    tpu.wait_indirect_dma semaphore(%arg24 : memref<!tpu.dma_semaphore, #tpu.memory_space<semaphore_mem>>) src(%dma_wait3A_174 : memref<100001x32xf32, #tpu.memory_space<hbm>>) dst(%dma_wait3A_169 : memref<128x32xf32, #tpu.memory_space<vmem>>)
    %dma_wait3A_175 = arith.constant 256 : i32
    %dma_wait3A_176 = arith.constant 0 : i32
    %dma_wait3A_177 = tpu.memref_slice %arg20[%dma_wait3A_175, %dma_wait3A_176] : memref<512x32xf32, #tpu.memory_space<vmem>> -> memref<128x32xf32, #tpu.memory_space<vmem>>
    %dma_wait3A_178 = arith.constant 256 : i32
    %dma_wait3A_179 = tpu.memref_slice %arg17[%dma_wait3A_178] : memref<512xi32, #tpu.memory_space<vmem>> -> memref<128xi32, #tpu.memory_space<vmem>>
    %dma_wait3A_180 = arith.constant 0 : i32
    %dma_wait3A_181 = arith.constant 0 : i32
    %dma_wait3A_182 = tpu.memref_slice %arg6[%dma_wait3A_180, %dma_wait3A_181] : memref<100001x32xf32, #tpu.memory_space<hbm>> -> memref<100001x32xf32, #tpu.memory_space<hbm>>
    tpu.wait_indirect_dma semaphore(%arg24 : memref<!tpu.dma_semaphore, #tpu.memory_space<semaphore_mem>>) src(%dma_wait3A_182 : memref<100001x32xf32, #tpu.memory_space<hbm>>) dst(%dma_wait3A_177 : memref<128x32xf32, #tpu.memory_space<vmem>>)
    %dma_wait3A_183 = arith.constant 384 : i32
    %dma_wait3A_184 = arith.constant 0 : i32
    %dma_wait3A_185 = tpu.memref_slice %arg20[%dma_wait3A_183, %dma_wait3A_184] : memref<512x32xf32, #tpu.memory_space<vmem>> -> memref<128x32xf32, #tpu.memory_space<vmem>>
    %dma_wait3A_186 = arith.constant 384 : i32
    %dma_wait3A_187 = tpu.memref_slice %arg17[%dma_wait3A_186] : memref<512xi32, #tpu.memory_space<vmem>> -> memref<128xi32, #tpu.memory_space<vmem>>
    %dma_wait3A_188 = arith.constant 0 : i32
    %dma_wait3A_189 = arith.constant 0 : i32
    %dma_wait3A_190 = tpu.memref_slice %arg6[%dma_wait3A_188, %dma_wait3A_189] : memref<100001x32xf32, #tpu.memory_space<hbm>> -> memref<100001x32xf32, #tpu.memory_space<hbm>>
    tpu.wait_indirect_dma semaphore(%arg24 : memref<!tpu.dma_semaphore, #tpu.memory_space<semaphore_mem>>) src(%dma_wait3A_190 : memref<100001x32xf32, #tpu.memory_space<hbm>>) dst(%dma_wait3A_185 : memref<128x32xf32, #tpu.memory_space<vmem>>)
    "tpu.region"() ({
      %run_scoped3A = tpu.sem_alloc : memref<!tpu.dma_semaphore, #tpu.memory_space<semaphore_mem>>
      %dma_start3A_223 = arith.constant 32 : i32
      %dma_start3A_224 = tpu.memref_slice %arg10[%mul3A_127, %dma_start3A_223] : memref<16384x97xf32, #tpu.memory_space<hbm>> -> memref<512x32xf32, #tpu.memory_space<hbm>>
      %dma_start3A_225 = arith.constant 32 : i32
      %dma_start3A_226 = tpu.memref_slice %arg10[%mul3A_127, %dma_start3A_225] : memref<16384x97xf32, #tpu.memory_space<hbm>> -> memref<512x32xf32, #tpu.memory_space<hbm>>
      tpu.enqueue_dma source(%arg20 : memref<512x32xf32, #tpu.memory_space<vmem>>) target(%dma_start3A_226 : memref<512x32xf32, #tpu.memory_space<hbm>>) target_semaphore(%run_scoped3A : memref<!tpu.dma_semaphore, #tpu.memory_space<semaphore_mem>>)
      %dma_wait3A_227 = arith.constant 32 : i32
      %dma_wait3A_228 = tpu.memref_slice %arg10[%mul3A_127, %dma_wait3A_227] : memref<16384x97xf32, #tpu.memory_space<hbm>> -> memref<512x32xf32, #tpu.memory_space<hbm>>
      %dma_wait3A_229 = arith.constant 32 : i32
      %dma_wait3A_230 = tpu.memref_slice %arg10[%mul3A_127, %dma_wait3A_229] : memref<16384x97xf32, #tpu.memory_space<hbm>> -> memref<512x32xf32, #tpu.memory_space<hbm>>
      tpu.wait_dma2 semaphore(%run_scoped3A : memref<!tpu.dma_semaphore, #tpu.memory_space<semaphore_mem>>) src(%arg20 : memref<512x32xf32, #tpu.memory_space<vmem>>) dst(%dma_wait3A_230 : memref<512x32xf32, #tpu.memory_space<hbm>>)
      tpu.yield
    }) : () -> ()
    %dma_wait3A_191 = arith.constant 0 : i32
    %dma_wait3A_192 = arith.constant 0 : i32
    %dma_wait3A_193 = tpu.memref_slice %arg21[%dma_wait3A_191, %dma_wait3A_192] : memref<512x32xf32, #tpu.memory_space<vmem>> -> memref<128x32xf32, #tpu.memory_space<vmem>>
    %dma_wait3A_194 = arith.constant 0 : i32
    %dma_wait3A_195 = tpu.memref_slice %arg18[%dma_wait3A_194] : memref<512xi32, #tpu.memory_space<vmem>> -> memref<128xi32, #tpu.memory_space<vmem>>
    %dma_wait3A_196 = arith.constant 0 : i32
    %dma_wait3A_197 = arith.constant 0 : i32
    %dma_wait3A_198 = tpu.memref_slice %arg7[%dma_wait3A_196, %dma_wait3A_197] : memref<1002x32xf32, #tpu.memory_space<hbm>> -> memref<1002x32xf32, #tpu.memory_space<hbm>>
    tpu.wait_indirect_dma semaphore(%arg25 : memref<!tpu.dma_semaphore, #tpu.memory_space<semaphore_mem>>) src(%dma_wait3A_198 : memref<1002x32xf32, #tpu.memory_space<hbm>>) dst(%dma_wait3A_193 : memref<128x32xf32, #tpu.memory_space<vmem>>)
    %dma_wait3A_199 = arith.constant 128 : i32
    %dma_wait3A_200 = arith.constant 0 : i32
    %dma_wait3A_201 = tpu.memref_slice %arg21[%dma_wait3A_199, %dma_wait3A_200] : memref<512x32xf32, #tpu.memory_space<vmem>> -> memref<128x32xf32, #tpu.memory_space<vmem>>
    %dma_wait3A_202 = arith.constant 128 : i32
    %dma_wait3A_203 = tpu.memref_slice %arg18[%dma_wait3A_202] : memref<512xi32, #tpu.memory_space<vmem>> -> memref<128xi32, #tpu.memory_space<vmem>>
    %dma_wait3A_204 = arith.constant 0 : i32
    %dma_wait3A_205 = arith.constant 0 : i32
    %dma_wait3A_206 = tpu.memref_slice %arg7[%dma_wait3A_204, %dma_wait3A_205] : memref<1002x32xf32, #tpu.memory_space<hbm>> -> memref<1002x32xf32, #tpu.memory_space<hbm>>
    tpu.wait_indirect_dma semaphore(%arg25 : memref<!tpu.dma_semaphore, #tpu.memory_space<semaphore_mem>>) src(%dma_wait3A_206 : memref<1002x32xf32, #tpu.memory_space<hbm>>) dst(%dma_wait3A_201 : memref<128x32xf32, #tpu.memory_space<vmem>>)
    %dma_wait3A_207 = arith.constant 256 : i32
    %dma_wait3A_208 = arith.constant 0 : i32
    %dma_wait3A_209 = tpu.memref_slice %arg21[%dma_wait3A_207, %dma_wait3A_208] : memref<512x32xf32, #tpu.memory_space<vmem>> -> memref<128x32xf32, #tpu.memory_space<vmem>>
    %dma_wait3A_210 = arith.constant 256 : i32
    %dma_wait3A_211 = tpu.memref_slice %arg18[%dma_wait3A_210] : memref<512xi32, #tpu.memory_space<vmem>> -> memref<128xi32, #tpu.memory_space<vmem>>
    %dma_wait3A_212 = arith.constant 0 : i32
    %dma_wait3A_213 = arith.constant 0 : i32
    %dma_wait3A_214 = tpu.memref_slice %arg7[%dma_wait3A_212, %dma_wait3A_213] : memref<1002x32xf32, #tpu.memory_space<hbm>> -> memref<1002x32xf32, #tpu.memory_space<hbm>>
    tpu.wait_indirect_dma semaphore(%arg25 : memref<!tpu.dma_semaphore, #tpu.memory_space<semaphore_mem>>) src(%dma_wait3A_214 : memref<1002x32xf32, #tpu.memory_space<hbm>>) dst(%dma_wait3A_209 : memref<128x32xf32, #tpu.memory_space<vmem>>)
    %dma_wait3A_215 = arith.constant 384 : i32
    %dma_wait3A_216 = arith.constant 0 : i32
    %dma_wait3A_217 = tpu.memref_slice %arg21[%dma_wait3A_215, %dma_wait3A_216] : memref<512x32xf32, #tpu.memory_space<vmem>> -> memref<128x32xf32, #tpu.memory_space<vmem>>
    %dma_wait3A_218 = arith.constant 384 : i32
    %dma_wait3A_219 = tpu.memref_slice %arg18[%dma_wait3A_218] : memref<512xi32, #tpu.memory_space<vmem>> -> memref<128xi32, #tpu.memory_space<vmem>>
    %dma_wait3A_220 = arith.constant 0 : i32
    %dma_wait3A_221 = arith.constant 0 : i32
    %dma_wait3A_222 = tpu.memref_slice %arg7[%dma_wait3A_220, %dma_wait3A_221] : memref<1002x32xf32, #tpu.memory_space<hbm>> -> memref<1002x32xf32, #tpu.memory_space<hbm>>
    tpu.wait_indirect_dma semaphore(%arg25 : memref<!tpu.dma_semaphore, #tpu.memory_space<semaphore_mem>>) src(%dma_wait3A_222 : memref<1002x32xf32, #tpu.memory_space<hbm>>) dst(%dma_wait3A_217 : memref<128x32xf32, #tpu.memory_space<vmem>>)
    "tpu.region"() ({
      %run_scoped3A = tpu.sem_alloc : memref<!tpu.dma_semaphore, #tpu.memory_space<semaphore_mem>>
      %dma_start3A_223 = arith.constant 64 : i32
      %dma_start3A_224 = tpu.memref_slice %arg10[%mul3A_127, %dma_start3A_223] : memref<16384x97xf32, #tpu.memory_space<hbm>> -> memref<512x32xf32, #tpu.memory_space<hbm>>
      %dma_start3A_225 = arith.constant 64 : i32
      %dma_start3A_226 = tpu.memref_slice %arg10[%mul3A_127, %dma_start3A_225] : memref<16384x97xf32, #tpu.memory_space<hbm>> -> memref<512x32xf32, #tpu.memory_space<hbm>>
      tpu.enqueue_dma source(%arg21 : memref<512x32xf32, #tpu.memory_space<vmem>>) target(%dma_start3A_226 : memref<512x32xf32, #tpu.memory_space<hbm>>) target_semaphore(%run_scoped3A : memref<!tpu.dma_semaphore, #tpu.memory_space<semaphore_mem>>)
      %dma_wait3A_227 = arith.constant 64 : i32
      %dma_wait3A_228 = tpu.memref_slice %arg10[%mul3A_127, %dma_wait3A_227] : memref<16384x97xf32, #tpu.memory_space<hbm>> -> memref<512x32xf32, #tpu.memory_space<hbm>>
      %dma_wait3A_229 = arith.constant 64 : i32
      %dma_wait3A_230 = tpu.memref_slice %arg10[%mul3A_127, %dma_wait3A_229] : memref<16384x97xf32, #tpu.memory_space<hbm>> -> memref<512x32xf32, #tpu.memory_space<hbm>>
      tpu.wait_dma2 semaphore(%run_scoped3A : memref<!tpu.dma_semaphore, #tpu.memory_space<semaphore_mem>>) src(%arg21 : memref<512x32xf32, #tpu.memory_space<vmem>>) dst(%dma_wait3A_230 : memref<512x32xf32, #tpu.memory_space<hbm>>)
      tpu.yield
    }) : () -> ()
    "tpu.region"() ({
      %run_scoped3A = tpu.sem_alloc : memref<!tpu.dma_semaphore, #tpu.memory_space<semaphore_mem>>
      %dma_start3A_223 = arith.constant 96 : i32
      %dma_start3A_224 = tpu.memref_slice %arg10[%mul3A_127, %dma_start3A_223] : memref<16384x97xf32, #tpu.memory_space<hbm>> -> memref<512x1xf32, #tpu.memory_space<hbm>>
      %dma_start3A_225 = arith.constant 96 : i32
      %dma_start3A_226 = tpu.memref_slice %arg10[%mul3A_127, %dma_start3A_225] : memref<16384x97xf32, #tpu.memory_space<hbm>> -> memref<512x1xf32, #tpu.memory_space<hbm>>
      tpu.enqueue_dma source(%arg22 : memref<512x1xf32, #tpu.memory_space<vmem>>) target(%dma_start3A_226 : memref<512x1xf32, #tpu.memory_space<hbm>>) target_semaphore(%run_scoped3A : memref<!tpu.dma_semaphore, #tpu.memory_space<semaphore_mem>>)
      %dma_wait3A_227 = arith.constant 96 : i32
      %dma_wait3A_228 = tpu.memref_slice %arg10[%mul3A_127, %dma_wait3A_227] : memref<16384x97xf32, #tpu.memory_space<hbm>> -> memref<512x1xf32, #tpu.memory_space<hbm>>
      %dma_wait3A_229 = arith.constant 96 : i32
      %dma_wait3A_230 = tpu.memref_slice %arg10[%mul3A_127, %dma_wait3A_229] : memref<16384x97xf32, #tpu.memory_space<hbm>> -> memref<512x1xf32, #tpu.memory_space<hbm>>
      tpu.wait_dma2 semaphore(%run_scoped3A : memref<!tpu.dma_semaphore, #tpu.memory_space<semaphore_mem>>) src(%arg22 : memref<512x1xf32, #tpu.memory_space<vmem>>) dst(%dma_wait3A_230 : memref<512x1xf32, #tpu.memory_space<hbm>>)
      tpu.yield
    }) : () -> ()
    return
  }
}

</mosaic_0001>

<sc_bundles>
// kernel: kernel.3.cloned.1.call-start
scs
__scs_entry_jumppad:
0x0: {  	(pc) =	sbr.rel $0x88, $3  }
0x1: {  	(tag) =	ssettag $0x0;
	lr =	simm.s32 $0x1  }
0x2: {  	[smem:$0x3F98] =	sst lr;
	_ =	strace $0xD0000000  }
0x3: {  	_ = 	snop  }
0x4: {  	_ = 	snop  }
0x5: {  	_ = 	snop  }
0x6: {  	_ = 	snop  }
0x7: {  	_ = 	snop  }
__scs_overlays_trampoline_lowered:
0x8: {  	[smem:$0x3FA7] =	sst s0  }
0x9: {  	[smem:$0x3FA8] =	sst s1  }
0xa: {  	[smem:$0x3FA9] =	sst s2  }
0xb: {  	[smem:$0x3FAA] =	sst s3  }
0xc: {  	[smem:$0x3FAB] =	sst s4  }
0xd: {  	[smem:$0x3FAC] =	sst s5  }
0xe: {  	[smem:$0x3FAD] =	sst s6  }
0xf: {  	[smem:$0x3FAE] =	sst s7  }
0x10: {  	[smem:$0x3FAF] =	sst s8  }
0x11: {  	[smem:$0x3FB0] =	sst s9;
	s0 =	simm.s32 @!p0 $0x0  }
0x12: {  	s1 =	sld [smem:$0x3F96];
	s0 =	simm.s32 @p0 $0x1  }
0x13: {  	[smem:$0x3FB1] =	sst s0;
	s0 =	simm.s32 @!p1 $0x0  }
0x14: {  	s2 =	sld [smem:$0x3F95];
	s0 =	simm.s32 @p1 $0x1  }
0x15: {  	[smem:$0x3FB2] =	sst s0;
	s0 =	simm.s32 @!p2 $0x0  }
0x16: {  	s3 =	sld [smem:$0x3FDB];
	s0 =	simm.s32 @p2 $0x1  }
0x17: {  	s4 =	simm.s32 $0x1BF5;
	[smem:$0x3FB4] =	sst s0  }
0x18: {  	s0 =	sld [smem:$0x3F97];
	_ =	swait.ge [sflag:s4], $0x0  }
0x19: {  	s7 =	sld [smem:$0x3F98]  }
0x1a: {  	s8 =	sadd.s32 $0xFFFFE003, lr  }
0x1b: {  	s9 =	sadd.s32 $0xFFFFFEF7, lr;
	s5 =	simm.s32 $0xFFFFFFFF;
	p2 =	slt.u32 s8, $0xFFFFF086  }
0x1c: {  	p1 =	slt.u32 s9, $0xF7A;
	s5 =	simm.s32 @!p2 $0x0  }
0x1d: {  	s5 =	simm.s32 @p1 $0x1;
	p0 =	seq.s32 s7, s2  }
0x1e: {  	s7 =	smul.u32 @!p0 $0xF7A, s2;
	p2 =	seq.s32 @!p0 s5, $0x0  }
0x1f: {  	s9 =	smul.u32 $0xF7A, s1;
	s8 =	simm.s32 @!p0 $0x1BF5;
	p2 =	por !p2, p0  }
0x20: {  	[sflag:s8] =	ssyncset.s32 @!p0 $0xFFFFF086;
	s6 =	sadd.s32 @!p0 s3, s7;
	s7 =	simm.s32 @!p0 $0x108  }
0x21: {  	s3 =	sadd.s32 s3, s9;
	s6 =	sadd.s32 @!p0 $0x88, s6;
	s7 =	simm.s32 @p2 $0x1082  }
0x22: {  	[simem:s7], [sflag:s8] =	dma.local @!p0 [hbm:s6], $0xF7A  }
0x23: {  	s9 =	sor.u32 $0xD0000000, s2;
	s6 =	simm.s32 $0x108;
	_ =	swait.ge @!p0 [sflag:s8], $0x0  }
0x24: {  	s3 =	sadd.s32 $0x88, s3;
	s6 =	simm.s32 @!p1 $0x1082;
	[sflag:s4] =	ssyncset.s32 $0xFFFFF086  }
0x25: {  	[simem:s6], [sflag:s4] =	dma.local [hbm:s3], $0xF7A  }
0x26: {  	[smem:$0x3F98] =	sst s1;
	(tag) =	ssettag s2;
	_ =	strace s9  }
0x27: {  	s1 =	sld [smem:$0x3FA8]  }
0x28: {  	s2 =	sld [smem:$0x3FA9]  }
0x29: {  	s4 =	sld [smem:$0x3FAB]  }
0x2a: {  	p0 =	seq.s32 s5, $0x0;
	s5 =	sld [smem:$0x3FAC]  }
0x2b: {  	s6 =	sld [smem:$0x3FAD]  }
0x2c: {  	s7 =	sld [smem:$0x3FAE]  }
0x2d: {  	s3 =	simm.s32 $0x108;
	s8 =	sld [smem:$0x3FAF]  }
0x2e: {  	s3 =	simm.s32 @!p0 $0x1082;
	s9 =	sld [smem:$0x3FB0]  }
0x2f: {  	lr =	sadd.s32 s0, s3;
	s0 =	sld [smem:$0x3FA7]  }
0x30: {  	s3 =	sld [smem:$0x3FAA]  }
0x31: {  	[smem:$0x3FB3] =	sst s10  }
0x32: {  	s10 =	sld [smem:$0x3FB1];
	_ =	sdelay $0x3  }
0x33: {  	p0 =	seq.s32 s10, $0x1;
	s10 =	sld [smem:$0x3FB3];
	_ =	sdelay $0x3  }
0x34: {  	[smem:$0x3FB3] =	sst s10  }
0x35: {  	s10 =	sld [smem:$0x3FB2];
	_ =	sdelay $0x3  }
0x36: {  	p1 =	seq.s32 s10, $0x1;
	s10 =	sld [smem:$0x3FB3];
	_ =	sdelay $0x3  }
0x37: {  	[smem:$0x3FB3] =	sst s10  }
0x38: {  	s10 =	sld [smem:$0x3FB4]  }
0x39: {  	_ = 	snop;
	(pc) =	sbr.ind lr, $3  }
0x3a: {  	_ = 	snop  }
0x3b: {  	_ = 	snop  }
0x3c: {  	p2 =	seq.s32 s10, $0x1;
	s10 =	sld [smem:$0x3FB3]  }
0x3d: {  	_ =	shalt  }
0x3e: {  	_ =	shalt  }
0x3f: {  	_ =	shalt  }
0x40: {  	_ =	shalt  }
0x41: {  	_ =	shalt  }
0x42: {  	_ =	shalt  }
0x43: {  	_ =	shalt  }
0x44: {  	_ =	shalt  }
0x45: {  	_ =	shalt  }
0x46: {  	_ =	shalt  }
0x47: {  	_ =	shalt  }
0x48: {  	_ =	shalt  }
0x49: {  	_ =	shalt  }
0x4a: {  	_ =	shalt  }
0x4b: {  	_ =	shalt  }
0x4c: {  	_ =	shalt  }
0x4d: {  	_ =	shalt  }
0x4e: {  	_ =	shalt  }
0x4f: {  	_ =	shalt  }
0x50: {  	_ =	shalt  }
0x51: {  	_ =	shalt  }
0x52: {  	_ =	shalt  }
0x53: {  	_ =	shalt  }
0x54: {  	_ =	shalt  }
0x55: {  	_ =	shalt  }
0x56: {  	_ =	shalt  }
0x57: {  	_ =	shalt  }
0x58: {  	_ =	shalt  }
0x59: {  	_ =	shalt  }
0x5a: {  	_ =	shalt  }
0x5b: {  	_ =	shalt  }
0x5c: {  	_ =	shalt  }
0x5d: {  	_ =	shalt  }
0x5e: {  	_ =	shalt  }
0x5f: {  	_ =	shalt  }
0x60: {  	_ =	shalt  }
0x61: {  	_ =	shalt  }
0x62: {  	_ =	shalt  }
0x63: {  	_ =	shalt  }
0x64: {  	_ =	shalt  }
0x65: {  	_ =	shalt  }
0x66: {  	_ =	shalt  }
0x67: {  	_ =	shalt  }
0x68: {  	_ =	shalt  }
0x69: {  	_ =	shalt  }
0x6a: {  	_ =	shalt  }
0x6b: {  	_ =	shalt  }
0x6c: {  	_ =	shalt  }
0x6d: {  	_ =	shalt  }
0x6e: {  	_ =	shalt  }
0x6f: {  	_ =	shalt  }
0x70: {  	_ =	shalt  }
0x71: {  	_ =	shalt  }
0x72: {  	_ =	shalt  }
0x73: {  	_ =	shalt  }
0x74: {  	_ =	shalt  }
0x75: {  	_ =	shalt  }
0x76: {  	_ =	shalt  }
0x77: {  	_ =	shalt  }
0x78: {  	_ =	shalt  }
0x79: {  	_ =	shalt  }
0x7a: {  	_ =	shalt  }
0x7b: {  	_ =	shalt  }
0x7c: {  	_ =	shalt  }
0x7d: {  	_ =	shalt  }
0x7e: {  	_ =	shalt  }
0x7f: {  	_ =	shalt  }
0x80: {  	_ =	shalt  }
0x81: {  	_ =	shalt  }
0x82: {  	_ =	shalt  }
0x83: {  	_ =	shalt  }
0x84: {  	_ =	shalt  }
0x85: {  	_ =	shalt  }
0x86: {  	_ =	shalt  }
0x87: {  	_ =	shalt  }
.Lfunc_end0:
.L_simem_size_0:
called_computation_lowered:
.L_overlay_start_0:
0x88: {  	s2 =	sld [smem:$0x3FD9]  }
0x89: {  	s3 =	sld [smem:$0x3FFE];
	_ =	sdelay $0x1  }
0x8a: {  	s1 =	srdreg.scid  }
0x8b: {  	s0 =	sand.u32 $0x1, s1  }
0x8c: {  	s17 =	sshll.u32 s0, $0xA;
	s2 =	sadd.s32 s3, s2  }
0x8d: {  	s2 =	sadd.s32 s2, s17  }
0x8e: {  	[smem:$0x3FBF] =	sst s2  }
0x8f: {  	_ = 	snop  }
0x90: {  	s2 =	sld [smem:$0x3FC9]  }
0x91: {  	s18 =	sld [smem:$0x3FC8]  }
0x92: {  	s4 =	sld [smem:$0x3FC7]  }
0x93: {  	s5 =	sld [smem:$0x3FC3]  }
0x94: {  	s6 =	sld [smem:$0x3FD0];
	(tm) =	ssettm $0x1  }
0x95: {  	s7 =	sld [smem:$0x3FFB];
	_ =	sdelay $0x3  }
0x96: {  	_ =	strace s7  }
0x97: {  	s7 =	sld [smem:$0x3FFC];
	_ =	sdelay $0x3  }
0x98: {  	_ =	strace s7  }
0x99: {  	s7 =	sld [smem:$0x3FFD];
	_ =	sdelay $0x3  }
0x9a: {  	_ =	strace s7  }
0x9b: {  	_ =	strace $0x8FFFFFFF  }
0x9c: {  	s19 =	sld [smem:$0x3FDB];
	_ =	sdelay $0x1  }
0x9d: {  	s8 =	simm.s32 $_scs_section_size  }
0x9e: {  	s9 =	simm.s32 $_size__tile_overlayer_lowered;
	s10 =	simm.s32 $_tile_overlayer_lowered  }
0x9f: {  	s22 =	simm.s32 $0x1BFF;
	s21 =	sshll.u32 s10, $0x1;
	s7 =	sadd.s32 s8, s19  }
0xa0: {  	s11 =	simm.s32 $0x0;
	s20 =	sshll.u32 s9, $0x1;
	s9 =	sadd.s32 s21, s7  }
0xa1: {  	[timem:s11], [sflag:s22] =	dma.local [hbm:s9], s20  }
0xa2: {  	_ =	swait.ge [sflag:s22], s20  }
0xa3: {  	s8 =	ssub.s32 $0x0, s20;
	[sflag:s22] =	ssyncset.done $0x0  }
0xa4: {  	[sflag:s22] =	ssyncadd.s32 s8;
	_ =	sdelay $0x1  }
0xa5: {  	s23 =	simm.s32 $0x1B8B  }
0xa6: {  	_ =	swait.ge [sflag:s23], $0x1  }
0xa7: {  	[sflag:s23] =	ssyncset.done $0x0  }
0xa8: {  	s25 =	simm.s32 $0x1B8E;
	s24 =	sld [smem:$0x3FFE];
	[sflag:s23] =	ssyncadd.s32 $0xFFFFFFFF  }
0xa9: {  	s26 =	simm.s32 $execute0_lowered;
	[smem:$0x3FD2] =	sst s25  }
0xaa: {  	s9 =	sshll.u32 s26, $0x1;
	_ =	strace $0x80000046;
	[dreg:$0x1] =	wrdreg $0xFFFFFFFF  }
0xab: {  	s28 =	simm.s32 $_size_execute0_lowered;
	s7 =	sadd.s32 s7, s9;
	[dreg:$0x0] =	wrdreg $0x0  }
0xac: {  	s9 =	sshll.u32 s28, $0x1;
	[dreg:$0x2] =	wrdreg s7  }
0xad: {  	[dreg:$0x3] =	wrdreg s9  }
0xae: {  	[dreg:$0x4] =	wrdreg $0xC0  }
0xaf: {  	_ =	task [dreg:s11], $0x5FFFF  }
0xb0: {  	[dreg:$0x1] =	wrdreg $0xFFFFFFFF  }
0xb1: {  	[dreg:$0x0] =	wrdreg $0x60  }
0xb2: {  	[dreg:$0x2] =	wrdreg s2  }
0xb3: {  	[dreg:$0x3] =	wrdreg s18  }
0xb4: {  	[dreg:$0x4] =	wrdreg s4  }
0xb5: {  	[dreg:$0x5] =	wrdreg s24  }
0xb6: {  	[dreg:$0x6] =	wrdreg s5  }
0xb7: {  	[dreg:$0x7] =	wrdreg s6  }
0xb8: {  	[dreg:$0x8] =	wrdreg $0x9  }
0xb9: {  	_ =	task.clear_ibuf [dreg:s11], $0x9FFFF;
	_ =	strace $0x90000046  }
0xba: {  	s29 =	simm.s32 $0x9;
	_ =	strace $0x80000048  }
0xbb: {  	_ =	swait.ge [sflag:s29], $0x1  }
0xbc: {  	[sflag:s29] =	ssyncadd.s32 $0xFFFFFFFF  }
0xbd: {  	_ =	strace $0x90000048  }
0xbe: {  	_ =	sfence  }
0xbf: {  	s30 =	sld [smem:$0x0];
	_ =	sdelay $0x2  }
0xc0: {  	s31 =	sshll.u32 s1, $0xD;
	s1 =	sshrl.u32 s1, $0x2  }
0xc1: {  	s3 =	sand.u32 $0x4000, s31;
	s1 =	sadd.s32 s1, s30  }
0xc2: {  	s0 =	sor.u32 s3, s0;
	s1 =	sshll.u32 s1, $0x11  }
0xc3: {  	s0 =	sor.u32 s1, s0  }
0xc4: {  	s0 =	sadd.s32 $0x8F2B, s0  }
0xc5: {  	[sflag:s0] =	ssyncadd.remote.s32 $0x1  }
0xc6: {  	_ =	sfence.sel $0xFFFF  }
0xc7: {  	[dreg:$0x0] =	wrdreg $0xFFFFFFFF;
	(pc) =	sbr.abs _section_cstart, $3  }
0xc8: {  	[dreg:$0x1] =	wrdreg $0xFFFFFFFF  }
0xc9: {  	_ =	task.clear_ibuf [dreg:s11], $0x2FFFF;
	_ =	strace $0x9FFFFFFF  }
0xca: {  	(tm) =	ssettm $0x7FFFFFFF  }
0xcb: {  	_ =	shalt  }
tec
execute0_lowered:
.L_overlay_start_1:
0x0: {  	(tag) =	ssettag $0x1  }
0x1: {  	s0 =	rddreg [dreg:$0x0]  }
0x2: {  	s1 =	rddreg [dreg:$0x1]  }
0x3: {  	s3 =	rddreg [dreg:$0x2]  }
0x4: {  	s7 =	rddreg [dreg:$0x3]  }
0x5: {  	s11 =	rddreg [dreg:$0x5]  }
0x6: {  	s2 =	simm.s32 $0x0;
	s6 =	srdreg.scid;
	s9 =	stileid.u32  }
0x7: {  	s16 =	simm.s32 $0x4;
	s19 =	simm.s32 $0x600;
	s21 =	simm.s32 $0x80  }
0x8: {  	s23 =	simm.s32 $0x1068;
	s24 =	simm.s32 $0xD068;
	s26 =	simm.s32 $0x9068  }
0x9: {  	s17 =	simm.s32 $0x1;
	s18 =	simm.s32 $0x20;
	s20 =	simm.s32 $0x68  }
0xa: {  	s22 =	simm.s32 $0x2;
	s25 =	simm.s32 $0x3;
	s28 =	simm.s32 $0x8  }
0xb: {  	s29 =	simm.s32 $0x0;
	[smem:$0x7FF] =	sst s2;
	s4 =	sadd.s32 $0x188400, s7  }
0xc: {  	s5 =	sadd.s32 $0x1EA000, s7;
	s8 =	sand.u32 $0x1, s6;
	s9 =	sshll.u32 s9, $0x1  }
0xd: {  	s6 =	sadd.s32 $0x1800, s7;
	s7 =	sadd.s32 $0x2800, s7;
	s10 =	ssub.s32 $0x2, s8  }
0xe: {  	_ =	strace $0x80000047;
	s8 =	sor.u32 s8, s9;
	s31 =	sshrl.u32 s10, $0x1  }
0xf: {  	s12 =	sshll.u32 s8, $0x6;
	s13 =	smul.u32 $0x1A00, s8;
	s15 =	ssub.s32 s10, s31  }
0x10: {  	s8 =	sadd.s32 s0, s12;
	s9 =	sadd.s32 s1, s12;
	s10 =	sadd.s32 s3, s12  }
0x11: {  	v1 =	vlaneseq.u32;
	s0 =	simm.s32 $0x5068;
	s11 =	sadd.s32 s11, s13;
	s15 =	smax.u32 s15, $0x1  }
0x12: {  	v0 =	vimm.s32 $0x0;
	v1 =	vmul.u32 $0x8, v1;
	s12 =	sadd.s32 $0x4, s11;
	s13 =	sadd.s32 $0x8, s11;
	s14 =	sadd.s32 $0xC, s11  }
.LBB2_1:
0x13: {  	[tilespmem:s2], [sflag:$0x4] =	stream.linear.gather [hbm4b:s8+s2], $0x200, $0x38;
	[tilespmem:$0xE068] =	vst v63  }
0x14: {  	_ =	swait.ge [sflag:s16], $0x200  }
0x15: {  	[sflag:s16] =	ssyncset.done $0x0  }
0x16: {  	s1 =	simm.s32 $0x200;
	[sflag:s16] =	ssyncadd.s32 $0xFFFFFE00  }
0x17: {  	[tilespmem:s1], [sflag:$0x4] =	stream.linear.gather [hbm4b:s9+s2], $0x200, $0x38;
	[tilespmem:$0xE068] =	vst v63  }
0x18: {  	_ =	swait.ge [sflag:s16], $0x200  }
0x19: {  	[sflag:s16] =	ssyncset.done $0x0  }
0x1a: {  	s3 =	simm.s32 $0x400;
	[sflag:s16] =	ssyncadd.s32 $0xFFFFFE00  }
0x1b: {  	[tilespmem:s3], [sflag:$0x4] =	stream.linear.gather [hbm4b:s10+s2], $0x200, $0x38;
	[tilespmem:$0xE068] =	vst v63  }
0x1c: {  	_ =	swait.ge [sflag:s16], $0x200  }
0x1d: {  	[sflag:s16] =	ssyncset.done $0x0  }
0x1e: {  	[sflag:s16] =	ssyncadd.s32 $0xFFFFFE00  }
0x1f: {  	s30 =	rddreg [dreg:$0x4]  }
0x20: {  	[tilespmem:s19], [sflag:$0x4] =	stream.linear.gather [hbm4b:s30+s2], $0x3E8, $0x38;
	[tilespmem:$0xE068] =	vst v63  }
0x21: {  	_ =	swait.ge [sflag:s16], $0x3E8  }
0x22: {  	[sflag:s16] =	ssyncset.done $0x0  }
0x23: {  	s31 =	simm.s32 $0x9E8;
	[sflag:s16] =	ssyncadd.s32 $0xFFFFFC18  }
0x24: {  	[tilespmem:s31], [sflag:$0x4] =	stream.linear.gather [hbm4b:s7+s2], $0x80, $0x38;
	[tilespmem:$0xE068] =	vst v63  }
0x25: {  	_ =	swait.ge [sflag:s16], $0x80  }
0x26: {  	[sflag:s16] =	ssyncset.done $0x0  }
0x27: {  	s1 =	simm.s32 $0x0;
	[sflag:s16] =	ssyncadd.s32 $0xFFFFFF80  }
0x28: {  	v2 =	vld [tilespmem:s1+$0x200]  }
0x29: {  	v3 =	vld [tilespmem:s1+$0x0]  }
0x2a: {  	s3 =	simm.s32 $0x40  }
.LBB2_2:
0x2b: {  	p0 =	sne.s32 s3, $0x7C0  }
.Ltmp0:
0x2c: {  	_ = 	snop;
	(pc) =	sbr.rel @p0 .LBB2_2-.Ltmp0, $4  }
0x2d: {  	s30 =	sshra.s32 s3, $0x2;
	vm0 =	vlt.u32 v2, $0x186A0;
	v4 =	vadd.s32 $0x1, v2  }
0x2e: {  	v2 =	vld [tilespmem:s30+$0x200];
	vm1 =	vlt.u32 v3, $0x186A0;
	v5 =	vadd.s32 $0x1, v3;
	v4 =	vnsel vm0, $0x0, v4  }
0x2f: {  	v3 =	vld [tilespmem:s30+$0x0];
	v5 =	vnsel vm1, $0x0, v5;
	[tilespmem:s1+$0xC68] =	vst v4  }
0x30: {  	s3 =	sadd.s32 $0x40, s3;
	[tilespmem:s1+$0xA68] =	vst v5;
	s1 =	smov.u32 s30  }
0x31: {  	_ =	sdelay $0x1  }
0x32: {  	vm0 =	vlt.u32 v2, $0x186A0;
	v2 =	vadd.s32 $0x1, v2  }
0x33: {  	vm1 =	vlt.u32 v3, $0x186A0;
	v3 =	vadd.s32 $0x1, v3;
	v2 =	vnsel vm0, $0x0, v2  }
0x34: {  	v3 =	vnsel vm1, $0x0, v3;
	[tilespmem:s1+$0xC68] =	vst v2  }
0x35: {  	s3 =	simm.s32 $0xA68;
	[tilespmem:s1+$0xA68] =	vst v3  }
0x36: {  	[tilespmem:s23], [sflag:$0x1] =	stream.indirect.gather [hbm4b:s4+s21], $0x20, s3, s21, $0xb8;
	[tilespmem:$0xE068] =	vst v63  }
0x37: {  	s1 =	simm.s32 $0xAE8;
	s3 =	simm.s32 $0x2068  }
0x38: {  	[tilespmem:s3], [sflag:$0x1] =	stream.indirect.gather [hbm4b:s4+s21], $0x20, s1, s21, $0xb8;
	[tilespmem:$0xE068] =	vst v63  }
0x39: {  	s1 =	simm.s32 $0xB68;
	s3 =	simm.s32 $0x3068  }
0x3a: {  	[tilespmem:s3], [sflag:$0x1] =	stream.indirect.gather [hbm4b:s4+s21], $0x20, s1, s21, $0xb8;
	[tilespmem:$0xE068] =	vst v63  }
0x3b: {  	s1 =	simm.s32 $0xBE8;
	s3 =	simm.s32 $0x4068  }
0x3c: {  	[tilespmem:s3], [sflag:$0x1] =	stream.indirect.gather [hbm4b:s4+s21], $0x20, s1, s21, $0xb8;
	[tilespmem:$0xE068] =	vst v63  }
0x3d: {  	s3 =	simm.s32 $0xC68  }
0x3e: {  	[tilespmem:s0], [sflag:$0x2] =	stream.indirect.gather [hbm4b:s5+s21], $0x20, s3, s21, $0xb8;
	[tilespmem:$0xE068] =	vst v63  }
0x3f: {  	s1 =	simm.s32 $0xCE8;
	s3 =	simm.s32 $0x6068  }
0x40: {  	[tilespmem:s3], [sflag:$0x2] =	stream.indirect.gather [hbm4b:s5+s21], $0x20, s1, s21, $0xb8;
	[tilespmem:$0xE068] =	vst v63  }
0x41: {  	s1 =	simm.s32 $0xD68;
	s3 =	simm.s32 $0x7068  }
0x42: {  	[tilespmem:s3], [sflag:$0x2] =	stream.indirect.gather [hbm4b:s5+s21], $0x20, s1, s21, $0xb8;
	[tilespmem:$0xE068] =	vst v63  }
0x43: {  	s1 =	simm.s32 $0xDE8;
	s3 =	simm.s32 $0x8068  }
0x44: {  	[tilespmem:s3], [sflag:$0x2] =	stream.indirect.gather [hbm4b:s5+s21], $0x20, s1, s21, $0xb8;
	[tilespmem:$0xE068] =	vst v63  }
0x45: {  	s3 =	simm.s32 $0x400  }
0x46: {  	v2 =	vld [tilespmem:s3+$0x0];
	_ =	sdelay $0x1  }
0x47: {  	v5 =	vld [tilespmem:$0xA08];
	_ =	sdelay $0x1  }
0x48: {  	v6 =	vld [tilespmem:$0xA18]  }
0x49: {  	v7 =	vcvt.s32.f32 v2;
	_ =	sdelay $0x1  }
0x4a: {  	v2 =	vsub.f32 v7, v5;
	_ =	sdelay $0x1  }
0x4b: {  	v2 =	vmul.f32 v2, v6;
	_ =	sdelay $0x1  }
0x4c: {  	v2 =	vtrunc.f32 v2  }
0x4d: {  	v2 =	vcvt.f32.s32 v2;
	_ =	sdelay $0x1  }
0x4e: {  	v2 =	vadd.s32 $0xFFFFFFFF, v2  }
0x4f: {  	vm10 =	vgt.s32 v2, $0x0  }
0x50: {  	v2 =	vnsel vm10, $0x0, v2  }
0x51: {  	v8 =	vmin.u32 v2, $0x3E7;
	v3 =	vmin.u32 v2, $0x3E6  }
0x52: {  	v4 =	vmin.u32 v2, $0x3E5;
	v3 =	vadd.s32 $0x1, v3  }
0x53: {  	v2 =	vmin.u32 v2, $0x3E4;
	v4 =	vadd.s32 $0x2, v4  }
0x54: {  	v2 =	vadd.s32 $0x3, v2;
	_ =	sdelay $0x1  }
0x55: {  	v9 =	vld.idx.msk [tilespmem:v8+s19+$0x0], $0xffff  }
0x56: {  	v10 =	vld.idx.msk [tilespmem:v3+s19+$0x0], $0xffff  }
0x57: {  	v11 =	vld.idx.msk [tilespmem:v4+s19+$0x0], $0xffff  }
0x58: {  	v12 =	vld.idx.msk [tilespmem:v2+s19+$0x0], $0xffff  }
0x59: {  	s3 =	simm.s32 $0x0  }
0x5a: {  	v3 =	vld [tilespmem:$0x9E8];
	v4 =	vmov s3  }
0x5b: {  	v2 =	vld [tilespmem:$0xA28];
	v61 =	vshll.u32 v4, $0x3;
	vm11 =	vle.f32 v9, v7;
	vm12 =	vle.f32 v10, v7  }
0x5c: {  	v4 =	vld [tilespmem:$0x9F8];
	v62 =	vsel vm11, $0x1, v0;
	vm13 =	vle.f32 v11, v7;
	v13 =	vsel vm12, $0x1, v0  }
0x5d: {  	vm14 =	vle.f32 v12, v7;
	v11 =	vsel vm13, $0x1, v0;
	v10 =	vadd.s32 v62, v13  }
0x5e: {  	v9 =	vor.u32 v1, v61;
	v12 =	vsel vm14, $0x1, v0;
	v10 =	vadd.s32 v11, v10  }
0x5f: {  	v63 =	vmul.f32 v7, v3;
	v10 =	vadd.s32 v12, v10  }
0x60: {  	vm15 =	vle.f32 v2, v7;
	v8 =	vadd.s32 v8, v10  }
0x61: {  	s30 =	simm.s32 $0xE68;
	v7 =	vsel vm15, $0x3E8, v8;
	v8 =	vadd.f32 v63, v4  }
0x62: {  	[tilespmem:s30+$0x0] =	vst v7  }
0x63: {  	s3 =	simm.s32 $0x410;
	[tilespmem:v9+s24+$0x0] =	vst.idx.msk $0xffff, v8  }
0x64: {  	v7 =	vld [tilespmem:s3+$0x0]  }
0x65: {  	s31 =	simm.s32 $0x10;
	s1 =	simm.s32 $0x20  }
.LBB2_4:
0x66: {  	p0 =	sne.s32 s1, $0x1F0;
	_ =	sdelay $0x2  }
0x67: {  	v7 =	vcvt.s32.f32 v7;
	_ =	sdelay $0x1  }
0x68: {  	v8 =	vsub.f32 v7, v5;
	v9 =	vmul.f32 v7, v3;
	_ =	sdelay $0x1  }
0x69: {  	v8 =	vmul.f32 v8, v6;
	_ =	sdelay $0x1  }
0x6a: {  	v8 =	vtrunc.f32 v8  }
0x6b: {  	v8 =	vcvt.f32.s32 v8;
	_ =	sdelay $0x1  }
0x6c: {  	v8 =	vadd.s32 $0xFFFFFFFF, v8  }
0x6d: {  	vm0 =	vgt.s32 v8, $0x0  }
0x6e: {  	v8 =	vnsel vm0, $0x0, v8  }
0x6f: {  	v10 =	vmin.u32 v8, $0x3E7;
	v11 =	vmin.u32 v8, $0x3E6  }
0x70: {  	v12 =	vmin.u32 v8, $0x3E5;
	v11 =	vadd.s32 $0x1, v11  }
0x71: {  	v8 =	vmin.u32 v8, $0x3E4;
	v12 =	vadd.s32 $0x2, v12  }
0x72: {  	v8 =	vadd.s32 $0x3, v8;
	_ =	sdelay $0x1  }
0x73: {  	v13 =	vld.idx.msk [tilespmem:v10+s19+$0x0], $0xffff  }
0x74: {  	v11 =	vld.idx.msk [tilespmem:v11+s19+$0x0], $0xffff  }
0x75: {  	v12 =	vld.idx.msk [tilespmem:v12+s19+$0x0], $0xffff  }
0x76: {  	v8 =	vld.idx.msk [tilespmem:v8+s19+$0x0], $0xffff;
	_ =	sdelay $0x2  }
0x77: {  	v14 =	vmov s31;
	s31 =	smov.u32 s1  }
0x78: {  	vm0 =	vle.f32 v13, v7;
	vm1 =	vle.f32 v11, v7;
	v11 =	vshll.u32 v14, $0x3  }
0x79: {  	v13 =	vsel vm0, $0x1, v0;
	v14 =	vsel vm1, $0x1, v0;
	vm0 =	vle.f32 v12, v7  }
0x7a: {  	v12 =	vsel vm0, $0x1, v0;
	vm0 =	vle.f32 v8, v7;
	v8 =	vadd.s32 v13, v14  }
0x7b: {  	v11 =	vor.u32 v1, v11;
	v13 =	vsel vm0, $0x1, v0;
	v8 =	vadd.s32 v12, v8  }
0x7c: {  	v8 =	vadd.s32 v13, v8  }
0x7d: {  	vm0 =	vle.f32 v2, v7;
	v8 =	vadd.s32 v10, v8  }
.Ltmp1:
0x7e: {  	s30 =	sadd.s32 $0x10, s30;
	v7 =	vsel vm0, $0x3E8, v8;
	v8 =	vadd.f32 v9, v4;
	(pc) =	sbr.rel @p0 .LBB2_4-.Ltmp1, $4  }
0x7f: {  	[tilespmem:s30+$0x0] =	vst v7  }
0x80: {  	s3 =	sadd.s32 $0x10, s3;
	[tilespmem:v11+s24+$0x0] =	vst.idx.msk $0xffff, v8  }
0x81: {  	v7 =	vld [tilespmem:s3+$0x0]  }
0x82: {  	s1 =	sadd.s32 $0x10, s1  }
0x83: {  	_ =	sdelay $0x2  }
0x84: {  	v7 =	vcvt.s32.f32 v7;
	_ =	sdelay $0x1  }
0x85: {  	v5 =	vsub.f32 v7, v5;
	_ =	sdelay $0x1  }
0x86: {  	v5 =	vmul.f32 v5, v6;
	_ =	sdelay $0x1  }
0x87: {  	v5 =	vtrunc.f32 v5  }
0x88: {  	v5 =	vcvt.f32.s32 v5;
	_ =	sdelay $0x1  }
0x89: {  	v5 =	vadd.s32 $0xFFFFFFFF, v5  }
0x8a: {  	vm0 =	vgt.s32 v5, $0x0  }
0x8b: {  	v5 =	vnsel vm0, $0x0, v5  }
0x8c: {  	v59 =	vmin.u32 v5, $0x3E7;
	v8 =	vmin.u32 v5, $0x3E6  }
0x8d: {  	v9 =	vmin.u32 v5, $0x3E5;
	v8 =	vadd.s32 $0x1, v8  }
0x8e: {  	v5 =	vmin.u32 v5, $0x3E4;
	v9 =	vadd.s32 $0x2, v9  }
0x8f: {  	v5 =	vadd.s32 $0x3, v5;
	_ =	sdelay $0x1  }
0x90: {  	v10 =	vld.idx.msk [tilespmem:v59+s19+$0x0], $0xffff  }
0x91: {  	v8 =	vld.idx.msk [tilespmem:v8+s19+$0x0], $0xffff  }
0x92: {  	v9 =	vld.idx.msk [tilespmem:v9+s19+$0x0], $0xffff  }
0x93: {  	v5 =	vld.idx.msk [tilespmem:v5+s19+$0x0], $0xffff;
	_ =	sdelay $0x1  }
0x94: {  	v11 =	vmov s31  }
0x95: {  	v60 =	vshll.u32 v11, $0x3;
	vm12 =	vle.f32 v10, v7;
	vm1 =	vle.f32 v8, v7  }
0x96: {  	v10 =	vsel vm12, $0x1, v0;
	vm13 =	vle.f32 v9, v7;
	v61 =	vsel vm1, $0x1, v0  }
0x97: {  	vm14 =	vle.f32 v5, v7;
	v9 =	vsel vm13, $0x1, v0;
	v62 =	vadd.s32 v10, v61  }
0x98: {  	v8 =	vor.u32 v1, v60;
	v63 =	vsel vm14, $0x1, v0;
	v5 =	vadd.s32 v9, v62  }
0x99: {  	v3 =	vmul.f32 v7, v3;
	v5 =	vadd.s32 v63, v5  }
0x9a: {  	vm15 =	vle.f32 v2, v7;
	v5 =	vadd.s32 v59, v5  }
0x9b: {  	s1 =	sadd.s32 $0x10, s30;
	v3 =	vadd.f32 v3, v4;
	v2 =	vsel vm15, $0x3E8, v5  }
0x9c: {  	[tilespmem:s1+$0x0] =	vst v2  }
0x9d: {  	s30 =	simm.s32 $0xE68;
	[tilespmem:v8+s24+$0x0] =	vst.idx.msk $0xffff, v3  }
0x9e: {  	[tilespmem:s26], [sflag:$0x3] =	stream.indirect.gather [hbm4b:s6+s21], $0x20, s30, s21, $0xb8;
	[tilespmem:$0xE068] =	vst v63  }
0x9f: {  	s31 =	simm.s32 $0xEE8;
	s3 =	simm.s32 $0xA068  }
0xa0: {  	[tilespmem:s3], [sflag:$0x3] =	stream.indirect.gather [hbm4b:s6+s21], $0x20, s31, s21, $0xb8;
	[tilespmem:$0xE068] =	vst v63  }
0xa1: {  	s30 =	simm.s32 $0xF68;
	s31 =	simm.s32 $0xB068  }
0xa2: {  	[tilespmem:s31], [sflag:$0x3] =	stream.indirect.gather [hbm4b:s6+s21], $0x20, s30, s21, $0xb8;
	[tilespmem:$0xE068] =	vst v63  }
0xa3: {  	s30 =	simm.s32 $0xFE8;
	s31 =	simm.s32 $0xC068  }
0xa4: {  	[tilespmem:s31], [sflag:$0x3] =	stream.indirect.gather [hbm4b:s6+s21], $0x20, s30, s21, $0xb8;
	[tilespmem:$0xE068] =	vst v63  }
0xa5: {  	_ =	swait.ge [sflag:s17], $0x1000  }
0xa6: {  	[sflag:s17] =	ssyncset.done $0x0  }
0xa7: {  	[sflag:s17] =	ssyncadd.s32 $0xFFFFF000  }
0xa8: {  	_ =	swait.ge [sflag:s17], $0x1000  }
0xa9: {  	[sflag:s17] =	ssyncset.done $0x0  }
0xaa: {  	[sflag:s17] =	ssyncadd.s32 $0xFFFFF000  }
0xab: {  	_ =	swait.ge [sflag:s17], $0x1000  }
0xac: {  	[sflag:s17] =	ssyncset.done $0x0  }
0xad: {  	[sflag:s17] =	ssyncadd.s32 $0xFFFFF000  }
0xae: {  	_ =	swait.ge [sflag:s17], $0x1000  }
0xaf: {  	[sflag:s17] =	ssyncset.done $0x0  }
0xb0: {  	[sflag:s17] =	ssyncadd.s32 $0xFFFFF000  }
0xb1: {  	[hbm4b:s11+s18] =	stream.strided.scatter [tilespmem:s23], [sflag:$0x4], $0x4000, s20, s18, $0x38;
	[tilespmem:$0xE068] =	vst v63  }
0xb2: {  	_ =	swait.ge [sflag:s16], $0x4000  }
0xb3: {  	[sflag:s16] =	ssyncset.done $0x0  }
0xb4: {  	[sflag:s16] =	ssyncadd.s32 $0xFFFFC000  }
0xb5: {  	_ =	swait.ge [sflag:s22], $0x1000  }
0xb6: {  	[sflag:s22] =	ssyncset.done $0x0  }
0xb7: {  	[sflag:s22] =	ssyncadd.s32 $0xFFFFF000  }
0xb8: {  	_ =	swait.ge [sflag:s22], $0x1000  }
0xb9: {  	[sflag:s22] =	ssyncset.done $0x0  }
0xba: {  	[sflag:s22] =	ssyncadd.s32 $0xFFFFF000  }
0xbb: {  	_ =	swait.ge [sflag:s22], $0x1000  }
0xbc: {  	[sflag:s22] =	ssyncset.done $0x0  }
0xbd: {  	[sflag:s22] =	ssyncadd.s32 $0xFFFFF000  }
0xbe: {  	_ =	swait.ge [sflag:s22], $0x1000  }
0xbf: {  	[sflag:s22] =	ssyncset.done $0x0  }
0xc0: {  	[sflag:s22] =	ssyncadd.s32 $0xFFFFF000  }
0xc1: {  	[hbm4b:s12+s18] =	stream.strided.scatter [tilespmem:s0], [sflag:$0x4], $0x4000, s20, s18, $0x38;
	[tilespmem:$0xE068] =	vst v63  }
0xc2: {  	_ =	swait.ge [sflag:s16], $0x4000  }
0xc3: {  	[sflag:s16] =	ssyncset.done $0x0  }
0xc4: {  	[sflag:s16] =	ssyncadd.s32 $0xFFFFC000  }
0xc5: {  	_ =	swait.ge [sflag:s25], $0x1000  }
0xc6: {  	[sflag:s25] =	ssyncset.done $0x0  }
0xc7: {  	[sflag:s25] =	ssyncadd.s32 $0xFFFFF000  }
0xc8: {  	_ =	swait.ge [sflag:s25], $0x1000  }
0xc9: {  	[sflag:s25] =	ssyncset.done $0x0  }
0xca: {  	[sflag:s25] =	ssyncadd.s32 $0xFFFFF000  }
0xcb: {  	_ =	swait.ge [sflag:s25], $0x1000  }
0xcc: {  	[sflag:s25] =	ssyncset.done $0x0  }
0xcd: {  	[sflag:s25] =	ssyncadd.s32 $0xFFFFF000  }
0xce: {  	_ =	swait.ge [sflag:s25], $0x1000  }
0xcf: {  	[sflag:s25] =	ssyncset.done $0x0  }
0xd0: {  	[sflag:s25] =	ssyncadd.s32 $0xFFFFF000  }
0xd1: {  	[hbm4b:s13+s18] =	stream.strided.scatter [tilespmem:s26], [sflag:$0x4], $0x4000, s20, s18, $0x38;
	[tilespmem:$0xE068] =	vst v63  }
0xd2: {  	s29 =	sadd.s32 $0x1, s29;
	_ =	swait.ge [sflag:s16], $0x4000  }
0xd3: {  	p0 =	sne.s32 s29, s15;
	[sflag:s16] =	ssyncset.done $0x0  }
.Ltmp2:
0xd4: {  	[sflag:s16] =	ssyncadd.s32 $0xFFFFC000;
	(pc) =	sbr.rel @p0 .LBB2_1-.Ltmp2, $4  }
0xd5: {  	[hbm4b:s14+s28] =	stream.strided.scatter [tilespmem:s24], [sflag:$0x4], $0x1000, s20, s28, $0x38;
	[tilespmem:$0xE068] =	vst v63  }
0xd6: {  	_ =	swait.ge [sflag:s16], $0x1000  }
0xd7: {  	[sflag:s16] =	ssyncset.done $0x0  }
0xd8: {  	[sflag:s16] =	ssyncadd.s32 $0xFFFFF000  }
0xd9: {  	_ =	sfence.sel $0x180000  }
0xda: {  	[bflag:$0x0] =	sbarrier.arrive $0xFFFF  }
0xdb: {  	_ =	strace $0x90000047  }
0xdc: {  	s0 =	stileid.u32;
	[bflag:$0x2] =	sbarrier.arrive $0xFFFF  }
0xdd: {  	p0 =	sne.s32 s0, $0x0;
	s0 =	rddreg [dreg:$0x6]  }
0xde: {  	s0 =	sadd.s32 @!p0 $0x100000, s0  }
0xdf: {  	[sflag:s0] =	ssyncadd.tile.s32 @!p0 $0x1;
	_ =	shalt  }
.Lfunc_end2:
_tile_overlayer_lowered:
.L_overlay_start_2:
0xe0: {  	(tag) =	ssettag $0x2  }
0xe1: {  	s0 =	rddreg [dreg:$0x0];
	s2 =	stileid.u32  }
0xe2: {  	s1 =	rddreg [dreg:$0x1];
	p0 =	sne.s32 s2, $0x0  }
0xe3: {  	s3 =	rddreg [dreg:$0x2];
	[bflag:$0x3] =	sbarrier.arrive $0xFFFF;
	s2 =	simm.s32 @!p0 $0x1C04  }
0xe4: {  	[timem:s3], [sflag:s2] =	dma.local @!p0 [hbm:s0], s1  }
0xe5: {  	s0 =	simm.s32 @!p0 $0x4  }
0xe6: {  	_ =	swait.ge @!p0 [sflag:s0], s1  }
0xe7: {  	s1 =	ssub.s32 @!p0 $0x0, s1;
	[sflag:s0] =	ssyncset.done @!p0 $0x0  }
0xe8: {  	[sflag:s0] =	ssyncadd.s32 @!p0 s1  }
0xe9: {  	[bflag:$0x3] =	sbarrier.arrive $0xFFFF  }
0xea: {  	_ =	shalt  }

</sc_bundles>
